<compile_context>
chip_gen: v7x
topology: tpu7x:2x2x1
jax: 0.10.2.dev20260603
libtpu: 0.0.44.dev20260713+nightly
codegen_flags: <defaults>
</compile_context>

<pallas_src>
import jax
import jax.numpy as jnp
from jax import lax
from jax.experimental import pallas as pl
from jax.experimental.pallas import tpu as pltpu
from jax.experimental.pallas import tpu_sc as plsc

NUM_TYPES = 7
DIM = 128
BATCH = 4096
HIST = 200

N = BATCH * HIST
NC = 2
NS = 16
NW = NC * NS
PER_W = N // NW
CHUNK = 200
NCHUNK = PER_W // CHUNK
NSLOT = 4


def _body(idx_hbm, table_hbm, out_hbm, table_s,
          idx_all, rows0, rows1, rows2, rows3,
          gsem0, gsem1, gsem2, gsem3, osem0, osem1, osem2, osem3):
    sid = lax.axis_index("s")
    wid = sid * NC + lax.axis_index("c")
    base = wid * PER_W

    @pl.when(sid == 0)
    def _():
        pltpu.sync_copy(table_hbm, table_s)

    pltpu.sync_copy(idx_hbm.at[pl.ds(base, PER_W)], idx_all)
    plsc.subcore_barrier()

    bufs = ((rows0, gsem0, osem0), (rows1, gsem1, osem1),
            (rows2, gsem2, osem2), (rows3, gsem3, osem3))

    def gdesc(g, b):
        rows_v, gsem, _ = bufs[b]
        return pltpu.make_async_copy(
            table_s.at[idx_all.at[pl.ds(g * CHUNK, CHUNK)]], rows_v, gsem
        )

    def odesc(g, b):
        rows_v, _, osem = bufs[b]
        return pltpu.make_async_copy(
            rows_v, out_hbm.at[pl.ds(base + g * CHUNK, CHUNK)], osem
        )

    def step(g, b, drain, issue):
        gdesc(g, b).wait()
        odesc(g, b).start()
        if drain:
            odesc(g - 1, (b - 1) % NSLOT).wait()
        if issue:
            gdesc(g + NSLOT - 1, (b - 1) % NSLOT).start()

    for g in range(NSLOT - 1):
        gdesc(g, g).start()
    for g in range(NSLOT):
        step(g, g % NSLOT, drain=g >= 1, issue=True)

    def quad_step(p, carry):
        for b in range(NSLOT):
            g = p * NSLOT + b
            step(g, b, drain=True, issue=True)
        return carry

    _tail = NSLOT * ((NCHUNK - NSLOT + 1) // NSLOT)
    lax.fori_loop(1, (NCHUNK - NSLOT + 1) // NSLOT, quad_step, 0)

    for g in range(_tail, NCHUNK):
        step(g, g % NSLOT, drain=True, issue=g + NSLOT - 1 < NCHUNK)
    odesc(NCHUNK - 1, (NCHUNK - 1) % NSLOT).wait()


@jax.jit
def _lookup(type_ids_flat, emb_weight):
    mesh = plsc.VectorSubcoreMesh(
        core_axis_name="c", subcore_axis_name="s",
        num_cores=NC, num_subcores=NS,
    )
    return pl.kernel(
        _body,
        out_type=jax.ShapeDtypeStruct((N, DIM), jnp.float32),
        mesh=mesh,
        scratch_types=[
            pltpu.VMEM_SHARED((NUM_TYPES, DIM), jnp.float32),
            pltpu.VMEM((PER_W,), jnp.int32),
        ] + [pltpu.VMEM((CHUNK, DIM), jnp.float32)] * NSLOT
          + [pltpu.SemaphoreType.DMA] * (2 * NSLOT),
    )(type_ids_flat, emb_weight)


def kernel(type_ids, emb_weight):
    flat = type_ids.reshape(-1).astype(jnp.int32)
    out = _lookup(flat, emb_weight)
    return out.reshape(BATCH, HIST, DIM)

# --- scband reference (transcript-rebuilt; emitter-appended) ---
"""Pipeline reference for scband-token-type-embedding-2121713845139 (READ-ONLY COPY).

The authoritative reference and input builder live on the scoring server;
editing this copy changes nothing except your own understanding.
"""

import jax, jax.numpy as jnp
import numpy as np

NUM_TYPES = 7
DIM = 128
BATCH = 4096
HIST = 200

def setup_inputs(seed: int = 0) -> dict:
    key = jax.random.key(seed)
    k_idx, k_emb = jax.random.split(key)
    type_ids = jax.random.randint(k_idx, (BATCH, HIST), 0, NUM_TYPES, dtype=jnp.int64 if jax.config.jax_enable_x64 else jnp.int32)
    emb_weight = jax.random.normal(k_emb, (NUM_TYPES, DIM), dtype=jnp.float32)
    return {"type_ids": type_ids, "emb_weight": emb_weight}

def reference(type_ids, emb_weight):
    # nn.Embedding lookup: out[b, l, :] = emb_weight[type_ids[b, l], :]
    return jnp.take(emb_weight, type_ids, axis=0)

if __name__ == "__main__":
    import jax
    _d = setup_inputs()
    print(jax.jit(kernel)(*tuple(_d.values())))

</pallas_src>

<mosaic_0001>
#map = affine_map<(d0, d1) -> (0)>
#map1 = affine_map<(d0, d1) -> (0, 0)>
module attributes {stable_mosaic.version = 14 : i64} {
  func.func @_body(%arg0: i32, %arg1: i32, %arg2: memref<819200xi32, #tpu.memory_space<hbm>>, %arg3: memref<7x128xf32, #tpu.memory_space<hbm>>, %arg4: memref<819200x128xf32, #tpu.memory_space<hbm>>, %arg5: memref<7x128xf32, #tpu.memory_space<vmem_shared>>, %arg6: memref<25600xi32, #tpu.memory_space<vmem>>, %arg7: memref<200x128xf32, #tpu.memory_space<vmem>>, %arg8: memref<200x128xf32, #tpu.memory_space<vmem>>, %arg9: memref<200x128xf32, #tpu.memory_space<vmem>>, %arg10: memref<200x128xf32, #tpu.memory_space<vmem>>, %arg11: memref<!tpu.dma_semaphore, #tpu.memory_space<semaphore_mem>>, %arg12: memref<!tpu.dma_semaphore, #tpu.memory_space<semaphore_mem>>, %arg13: memref<!tpu.dma_semaphore, #tpu.memory_space<semaphore_mem>>, %arg14: memref<!tpu.dma_semaphore, #tpu.memory_space<semaphore_mem>>, %arg15: memref<!tpu.dma_semaphore, #tpu.memory_space<semaphore_mem>>, %arg16: memref<!tpu.dma_semaphore, #tpu.memory_space<semaphore_mem>>, %arg17: memref<!tpu.dma_semaphore, #tpu.memory_space<semaphore_mem>>, %arg18: memref<!tpu.dma_semaphore, #tpu.memory_space<semaphore_mem>>) attributes {dimension_semantics = [#tpu.dimension_semantics<core_parallel>, #tpu.dimension_semantics<subcore_parallel>], iteration_bounds = array<i64: 2, 16>, scalar_prefetch = 0 : i64, scratch_operands = 14 : i64, tpu.core_type = #tpu.core_type<sc_vector_subcore>, window_params = [{transform_indices = #map}, {transform_indices = #map1}, {transform_indices = #map1}]} {
    %mul3A = arith.constant 2 : i32
    %mul3A_0 = arith.muli %arg1, %mul3A : i32
    %add3A = arith.addi %mul3A_0, %arg0 : i32
    %mul3A_1 = arith.constant 25600 : i32
    %mul3A_2 = arith.muli %add3A, %mul3A_1 : i32
    %eq3A = arith.constant 0 : i32
    %eq3A_3 = arith.cmpi eq, %arg1, %eq3A : i32
    %convert_element_type3A = arith.extui %eq3A_3 : i1 to i32
    %cond3A = arith.constant 0 : i32
    %cond3A_4 = arith.cmpi ne, %convert_element_type3A, %cond3A : i32
    scf.if %cond3A_4 {
      "tpu.region"() ({
        %run_scoped3A = tpu.sem_alloc : memref<!tpu.dma_semaphore, #tpu.memory_space<semaphore_mem>>
        tpu.enqueue_dma source(%arg3 : memref<7x128xf32, #tpu.memory_space<hbm>>) target(%arg5 : memref<7x128xf32, #tpu.memory_space<vmem_shared>>) target_semaphore(%run_scoped3A : memref<!tpu.dma_semaphore, #tpu.memory_space<semaphore_mem>>)
        tpu.wait_dma2 semaphore(%run_scoped3A : memref<!tpu.dma_semaphore, #tpu.memory_space<semaphore_mem>>) src(%arg3 : memref<7x128xf32, #tpu.memory_space<hbm>>) dst(%arg5 : memref<7x128xf32, #tpu.memory_space<vmem_shared>>)
        tpu.yield
      }) : () -> ()
    } else {
    }
    "tpu.region"() ({
      %run_scoped3A = tpu.sem_alloc : memref<!tpu.dma_semaphore, #tpu.memory_space<semaphore_mem>>
      %dma_start3A_184 = tpu.memref_slice %arg2[%mul3A_2] : memref<819200xi32, #tpu.memory_space<hbm>> -> memref<25600xi32, #tpu.memory_space<hbm>>
      %dma_start3A_185 = tpu.memref_slice %arg2[%mul3A_2] : memref<819200xi32, #tpu.memory_space<hbm>> -> memref<25600xi32, #tpu.memory_space<hbm>>
      tpu.enqueue_dma source(%dma_start3A_185 : memref<25600xi32, #tpu.memory_space<hbm>>) target(%arg6 : memref<25600xi32, #tpu.memory_space<vmem>>) target_semaphore(%run_scoped3A : memref<!tpu.dma_semaphore, #tpu.memory_space<semaphore_mem>>)
      %dma_wait3A_186 = tpu.memref_slice %arg2[%mul3A_2] : memref<819200xi32, #tpu.memory_space<hbm>> -> memref<25600xi32, #tpu.memory_space<hbm>>
      %dma_wait3A_187 = tpu.memref_slice %arg2[%mul3A_2] : memref<819200xi32, #tpu.memory_space<hbm>> -> memref<25600xi32, #tpu.memory_space<hbm>>
      tpu.wait_dma2 semaphore(%run_scoped3A : memref<!tpu.dma_semaphore, #tpu.memory_space<semaphore_mem>>) src(%dma_wait3A_187 : memref<25600xi32, #tpu.memory_space<hbm>>) dst(%arg6 : memref<25600xi32, #tpu.memory_space<vmem>>)
      tpu.yield
    }) : () -> ()
    %barrier3A = arith.constant 0 : index
    tpu.barrier barrier_id(%barrier3A)
    %dma_start3A = arith.constant 0 : i32
    %dma_start3A_5 = tpu.memref_slice %arg6[%dma_start3A] : memref<25600xi32, #tpu.memory_space<vmem>> -> memref<200xi32, #tpu.memory_space<vmem>>
    %dma_start3A_6 = arith.constant 0 : i32
    %dma_start3A_7 = arith.constant 0 : i32
    %dma_start3A_8 = tpu.memref_slice %arg5[%dma_start3A_6, %dma_start3A_7] : memref<7x128xf32, #tpu.memory_space<vmem_shared>> -> memref<7x128xf32, #tpu.memory_space<vmem_shared>>
    tpu.enqueue_indirect_dma source(%dma_start3A_8 : memref<7x128xf32, #tpu.memory_space<vmem_shared>>) target(%arg7 : memref<200x128xf32, #tpu.memory_space<vmem>>) offsets(%dma_start3A_5 : memref<200xi32, #tpu.memory_space<vmem>>) semaphore(%arg11 : memref<!tpu.dma_semaphore, #tpu.memory_space<semaphore_mem>>)
    %dma_start3A_9 = arith.constant 200 : i32
    %dma_start3A_10 = tpu.memref_slice %arg6[%dma_start3A_9] : memref<25600xi32, #tpu.memory_space<vmem>> -> memref<200xi32, #tpu.memory_space<vmem>>
    %dma_start3A_11 = arith.constant 0 : i32
    %dma_start3A_12 = arith.constant 0 : i32
    %dma_start3A_13 = tpu.memref_slice %arg5[%dma_start3A_11, %dma_start3A_12] : memref<7x128xf32, #tpu.memory_space<vmem_shared>> -> memref<7x128xf32, #tpu.memory_space<vmem_shared>>
    tpu.enqueue_indirect_dma source(%dma_start3A_13 : memref<7x128xf32, #tpu.memory_space<vmem_shared>>) target(%arg8 : memref<200x128xf32, #tpu.memory_space<vmem>>) offsets(%dma_start3A_10 : memref<200xi32, #tpu.memory_space<vmem>>) semaphore(%arg12 : memref<!tpu.dma_semaphore, #tpu.memory_space<semaphore_mem>>)
    %dma_start3A_14 = arith.constant 400 : i32
    %dma_start3A_15 = tpu.memref_slice %arg6[%dma_start3A_14] : memref<25600xi32, #tpu.memory_space<vmem>> -> memref<200xi32, #tpu.memory_space<vmem>>
    %dma_start3A_16 = arith.constant 0 : i32
    %dma_start3A_17 = arith.constant 0 : i32
    %dma_start3A_18 = tpu.memref_slice %arg5[%dma_start3A_16, %dma_start3A_17] : memref<7x128xf32, #tpu.memory_space<vmem_shared>> -> memref<7x128xf32, #tpu.memory_space<vmem_shared>>
    tpu.enqueue_indirect_dma source(%dma_start3A_18 : memref<7x128xf32, #tpu.memory_space<vmem_shared>>) target(%arg9 : memref<200x128xf32, #tpu.memory_space<vmem>>) offsets(%dma_start3A_15 : memref<200xi32, #tpu.memory_space<vmem>>) semaphore(%arg13 : memref<!tpu.dma_semaphore, #tpu.memory_space<semaphore_mem>>)
    %dma_wait3A = arith.constant 0 : i32
    %dma_wait3A_19 = tpu.memref_slice %arg6[%dma_wait3A] : memref<25600xi32, #tpu.memory_space<vmem>> -> memref<200xi32, #tpu.memory_space<vmem>>
    %dma_wait3A_20 = arith.constant 0 : i32
    %dma_wait3A_21 = arith.constant 0 : i32
    %dma_wait3A_22 = tpu.memref_slice %arg5[%dma_wait3A_20, %dma_wait3A_21] : memref<7x128xf32, #tpu.memory_space<vmem_shared>> -> memref<7x128xf32, #tpu.memory_space<vmem_shared>>
    tpu.wait_indirect_dma semaphore(%arg11 : memref<!tpu.dma_semaphore, #tpu.memory_space<semaphore_mem>>) src(%dma_wait3A_22 : memref<7x128xf32, #tpu.memory_space<vmem_shared>>) dst(%arg7 : memref<200x128xf32, #tpu.memory_space<vmem>>)
    %add3A_23 = arith.constant 0 : i32
    %add3A_24 = arith.addi %mul3A_2, %add3A_23 : i32
    %dma_start3A_25 = arith.constant 0 : i32
    %dma_start3A_26 = tpu.memref_slice %arg4[%add3A_24, %dma_start3A_25] : memref<819200x128xf32, #tpu.memory_space<hbm>> -> memref<200x128xf32, #tpu.memory_space<hbm>>
    %dma_start3A_27 = arith.constant 0 : i32
    %dma_start3A_28 = tpu.memref_slice %arg4[%add3A_24, %dma_start3A_27] : memref<819200x128xf32, #tpu.memory_space<hbm>> -> memref<200x128xf32, #tpu.memory_space<hbm>>
    tpu.enqueue_dma source(%arg7 : memref<200x128xf32, #tpu.memory_space<vmem>>) target(%dma_start3A_28 : memref<200x128xf32, #tpu.memory_space<hbm>>) target_semaphore(%arg15 : memref<!tpu.dma_semaphore, #tpu.memory_space<semaphore_mem>>)
    %dma_start3A_29 = arith.constant 600 : i32
    %dma_start3A_30 = tpu.memref_slice %arg6[%dma_start3A_29] : memref<25600xi32, #tpu.memory_space<vmem>> -> memref<200xi32, #tpu.memory_space<vmem>>
    %dma_start3A_31 = arith.constant 0 : i32
    %dma_start3A_32 = arith.constant 0 : i32
    %dma_start3A_33 = tpu.memref_slice %arg5[%dma_start3A_31, %dma_start3A_32] : memref<7x128xf32, #tpu.memory_space<vmem_shared>> -> memref<7x128xf32, #tpu.memory_space<vmem_shared>>
    tpu.enqueue_indirect_dma source(%dma_start3A_33 : memref<7x128xf32, #tpu.memory_space<vmem_shared>>) target(%arg10 : memref<200x128xf32, #tpu.memory_space<vmem>>) offsets(%dma_start3A_30 : memref<200xi32, #tpu.memory_space<vmem>>) semaphore(%arg14 : memref<!tpu.dma_semaphore, #tpu.memory_space<semaphore_mem>>)
    %dma_wait3A_34 = arith.constant 200 : i32
    %dma_wait3A_35 = tpu.memref_slice %arg6[%dma_wait3A_34] : memref<25600xi32, #tpu.memory_space<vmem>> -> memref<200xi32, #tpu.memory_space<vmem>>
    %dma_wait3A_36 = arith.constant 0 : i32
    %dma_wait3A_37 = arith.constant 0 : i32
    %dma_wait3A_38 = tpu.memref_slice %arg5[%dma_wait3A_36, %dma_wait3A_37] : memref<7x128xf32, #tpu.memory_space<vmem_shared>> -> memref<7x128xf32, #tpu.memory_space<vmem_shared>>
    tpu.wait_indirect_dma semaphore(%arg12 : memref<!tpu.dma_semaphore, #tpu.memory_space<semaphore_mem>>) src(%dma_wait3A_38 : memref<7x128xf32, #tpu.memory_space<vmem_shared>>) dst(%arg8 : memref<200x128xf32, #tpu.memory_space<vmem>>)
    %add3A_39 = arith.constant 200 : i32
    %add3A_40 = arith.addi %mul3A_2, %add3A_39 : i32
    %dma_start3A_41 = arith.constant 0 : i32
    %dma_start3A_42 = tpu.memref_slice %arg4[%add3A_40, %dma_start3A_41] : memref<819200x128xf32, #tpu.memory_space<hbm>> -> memref<200x128xf32, #tpu.memory_space<hbm>>
    %dma_start3A_43 = arith.constant 0 : i32
    %dma_start3A_44 = tpu.memref_slice %arg4[%add3A_40, %dma_start3A_43] : memref<819200x128xf32, #tpu.memory_space<hbm>> -> memref<200x128xf32, #tpu.memory_space<hbm>>
    tpu.enqueue_dma source(%arg8 : memref<200x128xf32, #tpu.memory_space<vmem>>) target(%dma_start3A_44 : memref<200x128xf32, #tpu.memory_space<hbm>>) target_semaphore(%arg16 : memref<!tpu.dma_semaphore, #tpu.memory_space<semaphore_mem>>)
    %add3A_45 = arith.constant 0 : i32
    %add3A_46 = arith.addi %mul3A_2, %add3A_45 : i32
    %dma_wait3A_47 = arith.constant 0 : i32
    %dma_wait3A_48 = tpu.memref_slice %arg4[%add3A_46, %dma_wait3A_47] : memref<819200x128xf32, #tpu.memory_space<hbm>> -> memref<200x128xf32, #tpu.memory_space<hbm>>
    %dma_wait3A_49 = arith.constant 0 : i32
    %dma_wait3A_50 = tpu.memref_slice %arg4[%add3A_46, %dma_wait3A_49] : memref<819200x128xf32, #tpu.memory_space<hbm>> -> memref<200x128xf32, #tpu.memory_space<hbm>>
    tpu.wait_dma2 semaphore(%arg15 : memref<!tpu.dma_semaphore, #tpu.memory_space<semaphore_mem>>) src(%arg7 : memref<200x128xf32, #tpu.memory_space<vmem>>) dst(%dma_wait3A_50 : memref<200x128xf32, #tpu.memory_space<hbm>>)
    %dma_start3A_51 = arith.constant 800 : i32
    %dma_start3A_52 = tpu.memref_slice %arg6[%dma_start3A_51] : memref<25600xi32, #tpu.memory_space<vmem>> -> memref<200xi32, #tpu.memory_space<vmem>>
    %dma_start3A_53 = arith.constant 0 : i32
    %dma_start3A_54 = arith.constant 0 : i32
    %dma_start3A_55 = tpu.memref_slice %arg5[%dma_start3A_53, %dma_start3A_54] : memref<7x128xf32, #tpu.memory_space<vmem_shared>> -> memref<7x128xf32, #tpu.memory_space<vmem_shared>>
    tpu.enqueue_indirect_dma source(%dma_start3A_55 : memref<7x128xf32, #tpu.memory_space<vmem_shared>>) target(%arg7 : memref<200x128xf32, #tpu.memory_space<vmem>>) offsets(%dma_start3A_52 : memref<200xi32, #tpu.memory_space<vmem>>) semaphore(%arg11 : memref<!tpu.dma_semaphore, #tpu.memory_space<semaphore_mem>>)
    %dma_wait3A_56 = arith.constant 400 : i32
    %dma_wait3A_57 = tpu.memref_slice %arg6[%dma_wait3A_56] : memref<25600xi32, #tpu.memory_space<vmem>> -> memref<200xi32, #tpu.memory_space<vmem>>
    %dma_wait3A_58 = arith.constant 0 : i32
    %dma_wait3A_59 = arith.constant 0 : i32
    %dma_wait3A_60 = tpu.memref_slice %arg5[%dma_wait3A_58, %dma_wait3A_59] : memref<7x128xf32, #tpu.memory_space<vmem_shared>> -> memref<7x128xf32, #tpu.memory_space<vmem_shared>>
    tpu.wait_indirect_dma semaphore(%arg13 : memref<!tpu.dma_semaphore, #tpu.memory_space<semaphore_mem>>) src(%dma_wait3A_60 : memref<7x128xf32, #tpu.memory_space<vmem_shared>>) dst(%arg9 : memref<200x128xf32, #tpu.memory_space<vmem>>)
    %add3A_61 = arith.constant 400 : i32
    %add3A_62 = arith.addi %mul3A_2, %add3A_61 : i32
    %dma_start3A_63 = arith.constant 0 : i32
    %dma_start3A_64 = tpu.memref_slice %arg4[%add3A_62, %dma_start3A_63] : memref<819200x128xf32, #tpu.memory_space<hbm>> -> memref<200x128xf32, #tpu.memory_space<hbm>>
    %dma_start3A_65 = arith.constant 0 : i32
    %dma_start3A_66 = tpu.memref_slice %arg4[%add3A_62, %dma_start3A_65] : memref<819200x128xf32, #tpu.memory_space<hbm>> -> memref<200x128xf32, #tpu.memory_space<hbm>>
    tpu.enqueue_dma source(%arg9 : memref<200x128xf32, #tpu.memory_space<vmem>>) target(%dma_start3A_66 : memref<200x128xf32, #tpu.memory_space<hbm>>) target_semaphore(%arg17 : memref<!tpu.dma_semaphore, #tpu.memory_space<semaphore_mem>>)
    %add3A_67 = arith.constant 200 : i32
    %add3A_68 = arith.addi %mul3A_2, %add3A_67 : i32
    %dma_wait3A_69 = arith.constant 0 : i32
    %dma_wait3A_70 = tpu.memref_slice %arg4[%add3A_68, %dma_wait3A_69] : memref<819200x128xf32, #tpu.memory_space<hbm>> -> memref<200x128xf32, #tpu.memory_space<hbm>>
    %dma_wait3A_71 = arith.constant 0 : i32
    %dma_wait3A_72 = tpu.memref_slice %arg4[%add3A_68, %dma_wait3A_71] : memref<819200x128xf32, #tpu.memory_space<hbm>> -> memref<200x128xf32, #tpu.memory_space<hbm>>
    tpu.wait_dma2 semaphore(%arg16 : memref<!tpu.dma_semaphore, #tpu.memory_space<semaphore_mem>>) src(%arg8 : memref<200x128xf32, #tpu.memory_space<vmem>>) dst(%dma_wait3A_72 : memref<200x128xf32, #tpu.memory_space<hbm>>)
    %dma_start3A_73 = arith.constant 1000 : i32
    %dma_start3A_74 = tpu.memref_slice %arg6[%dma_start3A_73] : memref<25600xi32, #tpu.memory_space<vmem>> -> memref<200xi32, #tpu.memory_space<vmem>>
    %dma_start3A_75 = arith.constant 0 : i32
    %dma_start3A_76 = arith.constant 0 : i32
    %dma_start3A_77 = tpu.memref_slice %arg5[%dma_start3A_75, %dma_start3A_76] : memref<7x128xf32, #tpu.memory_space<vmem_shared>> -> memref<7x128xf32, #tpu.memory_space<vmem_shared>>
    tpu.enqueue_indirect_dma source(%dma_start3A_77 : memref<7x128xf32, #tpu.memory_space<vmem_shared>>) target(%arg8 : memref<200x128xf32, #tpu.memory_space<vmem>>) offsets(%dma_start3A_74 : memref<200xi32, #tpu.memory_space<vmem>>) semaphore(%arg12 : memref<!tpu.dma_semaphore, #tpu.memory_space<semaphore_mem>>)
    %dma_wait3A_78 = arith.constant 600 : i32
    %dma_wait3A_79 = tpu.memref_slice %arg6[%dma_wait3A_78] : memref<25600xi32, #tpu.memory_space<vmem>> -> memref<200xi32, #tpu.memory_space<vmem>>
    %dma_wait3A_80 = arith.constant 0 : i32
    %dma_wait3A_81 = arith.constant 0 : i32
    %dma_wait3A_82 = tpu.memref_slice %arg5[%dma_wait3A_80, %dma_wait3A_81] : memref<7x128xf32, #tpu.memory_space<vmem_shared>> -> memref<7x128xf32, #tpu.memory_space<vmem_shared>>
    tpu.wait_indirect_dma semaphore(%arg14 : memref<!tpu.dma_semaphore, #tpu.memory_space<semaphore_mem>>) src(%dma_wait3A_82 : memref<7x128xf32, #tpu.memory_space<vmem_shared>>) dst(%arg10 : memref<200x128xf32, #tpu.memory_space<vmem>>)
    %add3A_83 = arith.constant 600 : i32
    %add3A_84 = arith.addi %mul3A_2, %add3A_83 : i32
    %dma_start3A_85 = arith.constant 0 : i32
    %dma_start3A_86 = tpu.memref_slice %arg4[%add3A_84, %dma_start3A_85] : memref<819200x128xf32, #tpu.memory_space<hbm>> -> memref<200x128xf32, #tpu.memory_space<hbm>>
    %dma_start3A_87 = arith.constant 0 : i32
    %dma_start3A_88 = tpu.memref_slice %arg4[%add3A_84, %dma_start3A_87] : memref<819200x128xf32, #tpu.memory_space<hbm>> -> memref<200x128xf32, #tpu.memory_space<hbm>>
    tpu.enqueue_dma source(%arg10 : memref<200x128xf32, #tpu.memory_space<vmem>>) target(%dma_start3A_88 : memref<200x128xf32, #tpu.memory_space<hbm>>) target_semaphore(%arg18 : memref<!tpu.dma_semaphore, #tpu.memory_space<semaphore_mem>>)
    %add3A_89 = arith.constant 400 : i32
    %add3A_90 = arith.addi %mul3A_2, %add3A_89 : i32
    %dma_wait3A_91 = arith.constant 0 : i32
    %dma_wait3A_92 = tpu.memref_slice %arg4[%add3A_90, %dma_wait3A_91] : memref<819200x128xf32, #tpu.memory_space<hbm>> -> memref<200x128xf32, #tpu.memory_space<hbm>>
    %dma_wait3A_93 = arith.constant 0 : i32
    %dma_wait3A_94 = tpu.memref_slice %arg4[%add3A_90, %dma_wait3A_93] : memref<819200x128xf32, #tpu.memory_space<hbm>> -> memref<200x128xf32, #tpu.memory_space<hbm>>
    tpu.wait_dma2 semaphore(%arg17 : memref<!tpu.dma_semaphore, #tpu.memory_space<semaphore_mem>>) src(%arg9 : memref<200x128xf32, #tpu.memory_space<vmem>>) dst(%dma_wait3A_94 : memref<200x128xf32, #tpu.memory_space<hbm>>)
    %dma_start3A_95 = arith.constant 1200 : i32
    %dma_start3A_96 = tpu.memref_slice %arg6[%dma_start3A_95] : memref<25600xi32, #tpu.memory_space<vmem>> -> memref<200xi32, #tpu.memory_space<vmem>>
    %dma_start3A_97 = arith.constant 0 : i32
    %dma_start3A_98 = arith.constant 0 : i32
    %dma_start3A_99 = tpu.memref_slice %arg5[%dma_start3A_97, %dma_start3A_98] : memref<7x128xf32, #tpu.memory_space<vmem_shared>> -> memref<7x128xf32, #tpu.memory_space<vmem_shared>>
    tpu.enqueue_indirect_dma source(%dma_start3A_99 : memref<7x128xf32, #tpu.memory_space<vmem_shared>>) target(%arg9 : memref<200x128xf32, #tpu.memory_space<vmem>>) offsets(%dma_start3A_96 : memref<200xi32, #tpu.memory_space<vmem>>) semaphore(%arg13 : memref<!tpu.dma_semaphore, #tpu.memory_space<semaphore_mem>>)
    %scan3A = arith.constant 0 : i32
    %scan3A_100 = arith.constant 1 : i32
    %scan3A_101 = arith.constant 30 : i32
    %scan3A_102 = arith.addi %scan3A_100, %scan3A_101 : i32
    %scan3A_103 = arith.constant 1 : i32
    scf.for %scan3A_184 = %scan3A_100 to %scan3A_102 step %scan3A_103  : i32 {
      %mul3A_185 = arith.constant 4 : i32
      %mul3A_186 = arith.muli %scan3A_184, %mul3A_185 : i32
      %add3A_187 = arith.constant 0 : i32
      %add3A_188 = arith.addi %mul3A_186, %add3A_187 : i32
      %mul3A_189 = arith.constant 200 : i32
      %mul3A_190 = arith.muli %add3A_188, %mul3A_189 : i32
      %dma_wait3A_191 = tpu.memref_slice %arg6[%mul3A_190] : memref<25600xi32, #tpu.memory_space<vmem>> -> memref<200xi32, #tpu.memory_space<vmem>>
      %dma_wait3A_192 = arith.constant 0 : i32
      %dma_wait3A_193 = arith.constant 0 : i32
      %dma_wait3A_194 = tpu.memref_slice %arg5[%dma_wait3A_192, %dma_wait3A_193] : memref<7x128xf32, #tpu.memory_space<vmem_shared>> -> memref<7x128xf32, #tpu.memory_space<vmem_shared>>
      tpu.wait_indirect_dma semaphore(%arg11 : memref<!tpu.dma_semaphore, #tpu.memory_space<semaphore_mem>>) src(%dma_wait3A_194 : memref<7x128xf32, #tpu.memory_space<vmem_shared>>) dst(%arg7 : memref<200x128xf32, #tpu.memory_space<vmem>>)
      %mul3A_195 = arith.constant 200 : i32
      %mul3A_196 = arith.muli %add3A_188, %mul3A_195 : i32
      %add3A_197 = arith.addi %mul3A_2, %mul3A_196 : i32
      %dma_start3A_198 = arith.constant 0 : i32
      %dma_start3A_199 = tpu.memref_slice %arg4[%add3A_197, %dma_start3A_198] : memref<819200x128xf32, #tpu.memory_space<hbm>> -> memref<200x128xf32, #tpu.memory_space<hbm>>
      %dma_start3A_200 = arith.constant 0 : i32
      %dma_start3A_201 = tpu.memref_slice %arg4[%add3A_197, %dma_start3A_200] : memref<819200x128xf32, #tpu.memory_space<hbm>> -> memref<200x128xf32, #tpu.memory_space<hbm>>
      tpu.enqueue_dma source(%arg7 : memref<200x128xf32, #tpu.memory_space<vmem>>) target(%dma_start3A_201 : memref<200x128xf32, #tpu.memory_space<hbm>>) target_semaphore(%arg15 : memref<!tpu.dma_semaphore, #tpu.memory_space<semaphore_mem>>)
      %sub3A = arith.constant 1 : i32
      %sub3A_202 = arith.subi %add3A_188, %sub3A : i32
      %mul3A_203 = arith.constant 200 : i32
      %mul3A_204 = arith.muli %sub3A_202, %mul3A_203 : i32
      %add3A_205 = arith.addi %mul3A_2, %mul3A_204 : i32
      %dma_wait3A_206 = arith.constant 0 : i32
      %dma_wait3A_207 = tpu.memref_slice %arg4[%add3A_205, %dma_wait3A_206] : memref<819200x128xf32, #tpu.memory_space<hbm>> -> memref<200x128xf32, #tpu.memory_space<hbm>>
      %dma_wait3A_208 = arith.constant 0 : i32
      %dma_wait3A_209 = tpu.memref_slice %arg4[%add3A_205, %dma_wait3A_208] : memref<819200x128xf32, #tpu.memory_space<hbm>> -> memref<200x128xf32, #tpu.memory_space<hbm>>
      tpu.wait_dma2 semaphore(%arg18 : memref<!tpu.dma_semaphore, #tpu.memory_space<semaphore_mem>>) src(%arg10 : memref<200x128xf32, #tpu.memory_space<vmem>>) dst(%dma_wait3A_209 : memref<200x128xf32, #tpu.memory_space<hbm>>)
      %add3A_210 = arith.constant 4 : i32
      %add3A_211 = arith.addi %add3A_188, %add3A_210 : i32
      %sub3A_212 = arith.constant 1 : i32
      %sub3A_213 = arith.subi %add3A_211, %sub3A_212 : i32
      %mul3A_214 = arith.constant 200 : i32
      %mul3A_215 = arith.muli %sub3A_213, %mul3A_214 : i32
      %dma_start3A_216 = tpu.memref_slice %arg6[%mul3A_215] : memref<25600xi32, #tpu.memory_space<vmem>> -> memref<200xi32, #tpu.memory_space<vmem>>
      %dma_start3A_217 = arith.constant 0 : i32
      %dma_start3A_218 = arith.constant 0 : i32
      %dma_start3A_219 = tpu.memref_slice %arg5[%dma_start3A_217, %dma_start3A_218] : memref<7x128xf32, #tpu.memory_space<vmem_shared>> -> memref<7x128xf32, #tpu.memory_space<vmem_shared>>
      tpu.enqueue_indirect_dma source(%dma_start3A_219 : memref<7x128xf32, #tpu.memory_space<vmem_shared>>) target(%arg10 : memref<200x128xf32, #tpu.memory_space<vmem>>) offsets(%dma_start3A_216 : memref<200xi32, #tpu.memory_space<vmem>>) semaphore(%arg14 : memref<!tpu.dma_semaphore, #tpu.memory_space<semaphore_mem>>)
      %mul3A_220 = arith.constant 4 : i32
      %mul3A_221 = arith.muli %scan3A_184, %mul3A_220 : i32
      %add3A_222 = arith.constant 1 : i32
      %add3A_223 = arith.addi %mul3A_221, %add3A_222 : i32
      %mul3A_224 = arith.constant 200 : i32
      %mul3A_225 = arith.muli %add3A_223, %mul3A_224 : i32
      %dma_wait3A_226 = tpu.memref_slice %arg6[%mul3A_225] : memref<25600xi32, #tpu.memory_space<vmem>> -> memref<200xi32, #tpu.memory_space<vmem>>
      %dma_wait3A_227 = arith.constant 0 : i32
      %dma_wait3A_228 = arith.constant 0 : i32
      %dma_wait3A_229 = tpu.memref_slice %arg5[%dma_wait3A_227, %dma_wait3A_228] : memref<7x128xf32, #tpu.memory_space<vmem_shared>> -> memref<7x128xf32, #tpu.memory_space<vmem_shared>>
      tpu.wait_indirect_dma semaphore(%arg12 : memref<!tpu.dma_semaphore, #tpu.memory_space<semaphore_mem>>) src(%dma_wait3A_229 : memref<7x128xf32, #tpu.memory_space<vmem_shared>>) dst(%arg8 : memref<200x128xf32, #tpu.memory_space<vmem>>)
      %mul3A_230 = arith.constant 200 : i32
      %mul3A_231 = arith.muli %add3A_223, %mul3A_230 : i32
      %add3A_232 = arith.addi %mul3A_2, %mul3A_231 : i32
      %dma_start3A_233 = arith.constant 0 : i32
      %dma_start3A_234 = tpu.memref_slice %arg4[%add3A_232, %dma_start3A_233] : memref<819200x128xf32, #tpu.memory_space<hbm>> -> memref<200x128xf32, #tpu.memory_space<hbm>>
      %dma_start3A_235 = arith.constant 0 : i32
      %dma_start3A_236 = tpu.memref_slice %arg4[%add3A_232, %dma_start3A_235] : memref<819200x128xf32, #tpu.memory_space<hbm>> -> memref<200x128xf32, #tpu.memory_space<hbm>>
      tpu.enqueue_dma source(%arg8 : memref<200x128xf32, #tpu.memory_space<vmem>>) target(%dma_start3A_236 : memref<200x128xf32, #tpu.memory_space<hbm>>) target_semaphore(%arg16 : memref<!tpu.dma_semaphore, #tpu.memory_space<semaphore_mem>>)
      %sub3A_237 = arith.constant 1 : i32
      %sub3A_238 = arith.subi %add3A_223, %sub3A_237 : i32
      %mul3A_239 = arith.constant 200 : i32
      %mul3A_240 = arith.muli %sub3A_238, %mul3A_239 : i32
      %add3A_241 = arith.addi %mul3A_2, %mul3A_240 : i32
      %dma_wait3A_242 = arith.constant 0 : i32
      %dma_wait3A_243 = tpu.memref_slice %arg4[%add3A_241, %dma_wait3A_242] : memref<819200x128xf32, #tpu.memory_space<hbm>> -> memref<200x128xf32, #tpu.memory_space<hbm>>
      %dma_wait3A_244 = arith.constant 0 : i32
      %dma_wait3A_245 = tpu.memref_slice %arg4[%add3A_241, %dma_wait3A_244] : memref<819200x128xf32, #tpu.memory_space<hbm>> -> memref<200x128xf32, #tpu.memory_space<hbm>>
      tpu.wait_dma2 semaphore(%arg15 : memref<!tpu.dma_semaphore, #tpu.memory_space<semaphore_mem>>) src(%arg7 : memref<200x128xf32, #tpu.memory_space<vmem>>) dst(%dma_wait3A_245 : memref<200x128xf32, #tpu.memory_space<hbm>>)
      %add3A_246 = arith.constant 4 : i32
      %add3A_247 = arith.addi %add3A_223, %add3A_246 : i32
      %sub3A_248 = arith.constant 1 : i32
      %sub3A_249 = arith.subi %add3A_247, %sub3A_248 : i32
      %mul3A_250 = arith.constant 200 : i32
      %mul3A_251 = arith.muli %sub3A_249, %mul3A_250 : i32
      %dma_start3A_252 = tpu.memref_slice %arg6[%mul3A_251] : memref<25600xi32, #tpu.memory_space<vmem>> -> memref<200xi32, #tpu.memory_space<vmem>>
      %dma_start3A_253 = arith.constant 0 : i32
      %dma_start3A_254 = arith.constant 0 : i32
      %dma_start3A_255 = tpu.memref_slice %arg5[%dma_start3A_253, %dma_start3A_254] : memref<7x128xf32, #tpu.memory_space<vmem_shared>> -> memref<7x128xf32, #tpu.memory_space<vmem_shared>>
      tpu.enqueue_indirect_dma source(%dma_start3A_255 : memref<7x128xf32, #tpu.memory_space<vmem_shared>>) target(%arg7 : memref<200x128xf32, #tpu.memory_space<vmem>>) offsets(%dma_start3A_252 : memref<200xi32, #tpu.memory_space<vmem>>) semaphore(%arg11 : memref<!tpu.dma_semaphore, #tpu.memory_space<semaphore_mem>>)
      %mul3A_256 = arith.constant 4 : i32
      %mul3A_257 = arith.muli %scan3A_184, %mul3A_256 : i32
      %add3A_258 = arith.constant 2 : i32
      %add3A_259 = arith.addi %mul3A_257, %add3A_258 : i32
      %mul3A_260 = arith.constant 200 : i32
      %mul3A_261 = arith.muli %add3A_259, %mul3A_260 : i32
      %dma_wait3A_262 = tpu.memref_slice %arg6[%mul3A_261] : memref<25600xi32, #tpu.memory_space<vmem>> -> memref<200xi32, #tpu.memory_space<vmem>>
      %dma_wait3A_263 = arith.constant 0 : i32
      %dma_wait3A_264 = arith.constant 0 : i32
      %dma_wait3A_265 = tpu.memref_slice %arg5[%dma_wait3A_263, %dma_wait3A_264] : memref<7x128xf32, #tpu.memory_space<vmem_shared>> -> memref<7x128xf32, #tpu.memory_space<vmem_shared>>
      tpu.wait_indirect_dma semaphore(%arg13 : memref<!tpu.dma_semaphore, #tpu.memory_space<semaphore_mem>>) src(%dma_wait3A_265 : memref<7x128xf32, #tpu.memory_space<vmem_shared>>) dst(%arg9 : memref<200x128xf32, #tpu.memory_space<vmem>>)
      %mul3A_266 = arith.constant 200 : i32
      %mul3A_267 = arith.muli %add3A_259, %mul3A_266 : i32
      %add3A_268 = arith.addi %mul3A_2, %mul3A_267 : i32
      %dma_start3A_269 = arith.constant 0 : i32
      %dma_start3A_270 = tpu.memref_slice %arg4[%add3A_268, %dma_start3A_269] : memref<819200x128xf32, #tpu.memory_space<hbm>> -> memref<200x128xf32, #tpu.memory_space<hbm>>
      %dma_start3A_271 = arith.constant 0 : i32
      %dma_start3A_272 = tpu.memref_slice %arg4[%add3A_268, %dma_start3A_271] : memref<819200x128xf32, #tpu.memory_space<hbm>> -> memref<200x128xf32, #tpu.memory_space<hbm>>
      tpu.enqueue_dma source(%arg9 : memref<200x128xf32, #tpu.memory_space<vmem>>) target(%dma_start3A_272 : memref<200x128xf32, #tpu.memory_space<hbm>>) target_semaphore(%arg17 : memref<!tpu.dma_semaphore, #tpu.memory_space<semaphore_mem>>)
      %sub3A_273 = arith.constant 1 : i32
      %sub3A_274 = arith.subi %add3A_259, %sub3A_273 : i32
      %mul3A_275 = arith.constant 200 : i32
      %mul3A_276 = arith.muli %sub3A_274, %mul3A_275 : i32
      %add3A_277 = arith.addi %mul3A_2, %mul3A_276 : i32
      %dma_wait3A_278 = arith.constant 0 : i32
      %dma_wait3A_279 = tpu.memref_slice %arg4[%add3A_277, %dma_wait3A_278] : memref<819200x128xf32, #tpu.memory_space<hbm>> -> memref<200x128xf32, #tpu.memory_space<hbm>>
      %dma_wait3A_280 = arith.constant 0 : i32
      %dma_wait3A_281 = tpu.memref_slice %arg4[%add3A_277, %dma_wait3A_280] : memref<819200x128xf32, #tpu.memory_space<hbm>> -> memref<200x128xf32, #tpu.memory_space<hbm>>
      tpu.wait_dma2 semaphore(%arg16 : memref<!tpu.dma_semaphore, #tpu.memory_space<semaphore_mem>>) src(%arg8 : memref<200x128xf32, #tpu.memory_space<vmem>>) dst(%dma_wait3A_281 : memref<200x128xf32, #tpu.memory_space<hbm>>)
      %add3A_282 = arith.constant 4 : i32
      %add3A_283 = arith.addi %add3A_259, %add3A_282 : i32
      %sub3A_284 = arith.constant 1 : i32
      %sub3A_285 = arith.subi %add3A_283, %sub3A_284 : i32
      %mul3A_286 = arith.constant 200 : i32
      %mul3A_287 = arith.muli %sub3A_285, %mul3A_286 : i32
      %dma_start3A_288 = tpu.memref_slice %arg6[%mul3A_287] : memref<25600xi32, #tpu.memory_space<vmem>> -> memref<200xi32, #tpu.memory_space<vmem>>
      %dma_start3A_289 = arith.constant 0 : i32
      %dma_start3A_290 = arith.constant 0 : i32
      %dma_start3A_291 = tpu.memref_slice %arg5[%dma_start3A_289, %dma_start3A_290] : memref<7x128xf32, #tpu.memory_space<vmem_shared>> -> memref<7x128xf32, #tpu.memory_space<vmem_shared>>
      tpu.enqueue_indirect_dma source(%dma_start3A_291 : memref<7x128xf32, #tpu.memory_space<vmem_shared>>) target(%arg8 : memref<200x128xf32, #tpu.memory_space<vmem>>) offsets(%dma_start3A_288 : memref<200xi32, #tpu.memory_space<vmem>>) semaphore(%arg12 : memref<!tpu.dma_semaphore, #tpu.memory_space<semaphore_mem>>)
      %mul3A_292 = arith.constant 4 : i32
      %mul3A_293 = arith.muli %scan3A_184, %mul3A_292 : i32
      %add3A_294 = arith.constant 3 : i32
      %add3A_295 = arith.addi %mul3A_293, %add3A_294 : i32
      %mul3A_296 = arith.constant 200 : i32
      %mul3A_297 = arith.muli %add3A_295, %mul3A_296 : i32
      %dma_wait3A_298 = tpu.memref_slice %arg6[%mul3A_297] : memref<25600xi32, #tpu.memory_space<vmem>> -> memref<200xi32, #tpu.memory_space<vmem>>
      %dma_wait3A_299 = arith.constant 0 : i32
      %dma_wait3A_300 = arith.constant 0 : i32
      %dma_wait3A_301 = tpu.memref_slice %arg5[%dma_wait3A_299, %dma_wait3A_300] : memref<7x128xf32, #tpu.memory_space<vmem_shared>> -> memref<7x128xf32, #tpu.memory_space<vmem_shared>>
      tpu.wait_indirect_dma semaphore(%arg14 : memref<!tpu.dma_semaphore, #tpu.memory_space<semaphore_mem>>) src(%dma_wait3A_301 : memref<7x128xf32, #tpu.memory_space<vmem_shared>>) dst(%arg10 : memref<200x128xf32, #tpu.memory_space<vmem>>)
      %mul3A_302 = arith.constant 200 : i32
      %mul3A_303 = arith.muli %add3A_295, %mul3A_302 : i32
      %add3A_304 = arith.addi %mul3A_2, %mul3A_303 : i32
      %dma_start3A_305 = arith.constant 0 : i32
      %dma_start3A_306 = tpu.memref_slice %arg4[%add3A_304, %dma_start3A_305] : memref<819200x128xf32, #tpu.memory_space<hbm>> -> memref<200x128xf32, #tpu.memory_space<hbm>>
      %dma_start3A_307 = arith.constant 0 : i32
      %dma_start3A_308 = tpu.memref_slice %arg4[%add3A_304, %dma_start3A_307] : memref<819200x128xf32, #tpu.memory_space<hbm>> -> memref<200x128xf32, #tpu.memory_space<hbm>>
      tpu.enqueue_dma source(%arg10 : memref<200x128xf32, #tpu.memory_space<vmem>>) target(%dma_start3A_308 : memref<200x128xf32, #tpu.memory_space<hbm>>) target_semaphore(%arg18 : memref<!tpu.dma_semaphore, #tpu.memory_space<semaphore_mem>>)
      %sub3A_309 = arith.constant 1 : i32
      %sub3A_310 = arith.subi %add3A_295, %sub3A_309 : i32
      %mul3A_311 = arith.constant 200 : i32
      %mul3A_312 = arith.muli %sub3A_310, %mul3A_311 : i32
      %add3A_313 = arith.addi %mul3A_2, %mul3A_312 : i32
      %dma_wait3A_314 = arith.constant 0 : i32
      %dma_wait3A_315 = tpu.memref_slice %arg4[%add3A_313, %dma_wait3A_314] : memref<819200x128xf32, #tpu.memory_space<hbm>> -> memref<200x128xf32, #tpu.memory_space<hbm>>
      %dma_wait3A_316 = arith.constant 0 : i32
      %dma_wait3A_317 = tpu.memref_slice %arg4[%add3A_313, %dma_wait3A_316] : memref<819200x128xf32, #tpu.memory_space<hbm>> -> memref<200x128xf32, #tpu.memory_space<hbm>>
      tpu.wait_dma2 semaphore(%arg17 : memref<!tpu.dma_semaphore, #tpu.memory_space<semaphore_mem>>) src(%arg9 : memref<200x128xf32, #tpu.memory_space<vmem>>) dst(%dma_wait3A_317 : memref<200x128xf32, #tpu.memory_space<hbm>>)
      %add3A_318 = arith.constant 4 : i32
      %add3A_319 = arith.addi %add3A_295, %add3A_318 : i32
      %sub3A_320 = arith.constant 1 : i32
      %sub3A_321 = arith.subi %add3A_319, %sub3A_320 : i32
      %mul3A_322 = arith.constant 200 : i32
      %mul3A_323 = arith.muli %sub3A_321, %mul3A_322 : i32
      %dma_start3A_324 = tpu.memref_slice %arg6[%mul3A_323] : memref<25600xi32, #tpu.memory_space<vmem>> -> memref<200xi32, #tpu.memory_space<vmem>>
      %dma_start3A_325 = arith.constant 0 : i32
      %dma_start3A_326 = arith.constant 0 : i32
      %dma_start3A_327 = tpu.memref_slice %arg5[%dma_start3A_325, %dma_start3A_326] : memref<7x128xf32, #tpu.memory_space<vmem_shared>> -> memref<7x128xf32, #tpu.memory_space<vmem_shared>>
      tpu.enqueue_indirect_dma source(%dma_start3A_327 : memref<7x128xf32, #tpu.memory_space<vmem_shared>>) target(%arg9 : memref<200x128xf32, #tpu.memory_space<vmem>>) offsets(%dma_start3A_324 : memref<200xi32, #tpu.memory_space<vmem>>) semaphore(%arg13 : memref<!tpu.dma_semaphore, #tpu.memory_space<semaphore_mem>>)
    }
    %scan3A_104 = arith.constant 30 : i32
    %dma_wait3A_105 = arith.constant 24800 : i32
    %dma_wait3A_106 = tpu.memref_slice %arg6[%dma_wait3A_105] : memref<25600xi32, #tpu.memory_space<vmem>> -> memref<200xi32, #tpu.memory_space<vmem>>
    %dma_wait3A_107 = arith.constant 0 : i32
    %dma_wait3A_108 = arith.constant 0 : i32
    %dma_wait3A_109 = tpu.memref_slice %arg5[%dma_wait3A_107, %dma_wait3A_108] : memref<7x128xf32, #tpu.memory_space<vmem_shared>> -> memref<7x128xf32, #tpu.memory_space<vmem_shared>>
    tpu.wait_indirect_dma semaphore(%arg11 : memref<!tpu.dma_semaphore, #tpu.memory_space<semaphore_mem>>) src(%dma_wait3A_109 : memref<7x128xf32, #tpu.memory_space<vmem_shared>>) dst(%arg7 : memref<200x128xf32, #tpu.memory_space<vmem>>)
    %add3A_110 = arith.constant 24800 : i32
    %add3A_111 = arith.addi %mul3A_2, %add3A_110 : i32
    %dma_start3A_112 = arith.constant 0 : i32
    %dma_start3A_113 = tpu.memref_slice %arg4[%add3A_111, %dma_start3A_112] : memref<819200x128xf32, #tpu.memory_space<hbm>> -> memref<200x128xf32, #tpu.memory_space<hbm>>
    %dma_start3A_114 = arith.constant 0 : i32
    %dma_start3A_115 = tpu.memref_slice %arg4[%add3A_111, %dma_start3A_114] : memref<819200x128xf32, #tpu.memory_space<hbm>> -> memref<200x128xf32, #tpu.memory_space<hbm>>
    tpu.enqueue_dma source(%arg7 : memref<200x128xf32, #tpu.memory_space<vmem>>) target(%dma_start3A_115 : memref<200x128xf32, #tpu.memory_space<hbm>>) target_semaphore(%arg15 : memref<!tpu.dma_semaphore, #tpu.memory_space<semaphore_mem>>)
    %add3A_116 = arith.constant 24600 : i32
    %add3A_117 = arith.addi %mul3A_2, %add3A_116 : i32
    %dma_wait3A_118 = arith.constant 0 : i32
    %dma_wait3A_119 = tpu.memref_slice %arg4[%add3A_117, %dma_wait3A_118] : memref<819200x128xf32, #tpu.memory_space<hbm>> -> memref<200x128xf32, #tpu.memory_space<hbm>>
    %dma_wait3A_120 = arith.constant 0 : i32
    %dma_wait3A_121 = tpu.memref_slice %arg4[%add3A_117, %dma_wait3A_120] : memref<819200x128xf32, #tpu.memory_space<hbm>> -> memref<200x128xf32, #tpu.memory_space<hbm>>
    tpu.wait_dma2 semaphore(%arg18 : memref<!tpu.dma_semaphore, #tpu.memory_space<semaphore_mem>>) src(%arg10 : memref<200x128xf32, #tpu.memory_space<vmem>>) dst(%dma_wait3A_121 : memref<200x128xf32, #tpu.memory_space<hbm>>)
    %dma_start3A_122 = arith.constant 25400 : i32
    %dma_start3A_123 = tpu.memref_slice %arg6[%dma_start3A_122] : memref<25600xi32, #tpu.memory_space<vmem>> -> memref<200xi32, #tpu.memory_space<vmem>>
    %dma_start3A_124 = arith.constant 0 : i32
    %dma_start3A_125 = arith.constant 0 : i32
    %dma_start3A_126 = tpu.memref_slice %arg5[%dma_start3A_124, %dma_start3A_125] : memref<7x128xf32, #tpu.memory_space<vmem_shared>> -> memref<7x128xf32, #tpu.memory_space<vmem_shared>>
    tpu.enqueue_indirect_dma source(%dma_start3A_126 : memref<7x128xf32, #tpu.memory_space<vmem_shared>>) target(%arg10 : memref<200x128xf32, #tpu.memory_space<vmem>>) offsets(%dma_start3A_123 : memref<200xi32, #tpu.memory_space<vmem>>) semaphore(%arg14 : memref<!tpu.dma_semaphore, #tpu.memory_space<semaphore_mem>>)
    %dma_wait3A_127 = arith.constant 25000 : i32
    %dma_wait3A_128 = tpu.memref_slice %arg6[%dma_wait3A_127] : memref<25600xi32, #tpu.memory_space<vmem>> -> memref<200xi32, #tpu.memory_space<vmem>>
    %dma_wait3A_129 = arith.constant 0 : i32
    %dma_wait3A_130 = arith.constant 0 : i32
    %dma_wait3A_131 = tpu.memref_slice %arg5[%dma_wait3A_129, %dma_wait3A_130] : memref<7x128xf32, #tpu.memory_space<vmem_shared>> -> memref<7x128xf32, #tpu.memory_space<vmem_shared>>
    tpu.wait_indirect_dma semaphore(%arg12 : memref<!tpu.dma_semaphore, #tpu.memory_space<semaphore_mem>>) src(%dma_wait3A_131 : memref<7x128xf32, #tpu.memory_space<vmem_shared>>) dst(%arg8 : memref<200x128xf32, #tpu.memory_space<vmem>>)
    %add3A_132 = arith.constant 25000 : i32
    %add3A_133 = arith.addi %mul3A_2, %add3A_132 : i32
    %dma_start3A_134 = arith.constant 0 : i32
    %dma_start3A_135 = tpu.memref_slice %arg4[%add3A_133, %dma_start3A_134] : memref<819200x128xf32, #tpu.memory_space<hbm>> -> memref<200x128xf32, #tpu.memory_space<hbm>>
    %dma_start3A_136 = arith.constant 0 : i32
    %dma_start3A_137 = tpu.memref_slice %arg4[%add3A_133, %dma_start3A_136] : memref<819200x128xf32, #tpu.memory_space<hbm>> -> memref<200x128xf32, #tpu.memory_space<hbm>>
    tpu.enqueue_dma source(%arg8 : memref<200x128xf32, #tpu.memory_space<vmem>>) target(%dma_start3A_137 : memref<200x128xf32, #tpu.memory_space<hbm>>) target_semaphore(%arg16 : memref<!tpu.dma_semaphore, #tpu.memory_space<semaphore_mem>>)
    %add3A_138 = arith.constant 24800 : i32
    %add3A_139 = arith.addi %mul3A_2, %add3A_138 : i32
    %dma_wait3A_140 = arith.constant 0 : i32
    %dma_wait3A_141 = tpu.memref_slice %arg4[%add3A_139, %dma_wait3A_140] : memref<819200x128xf32, #tpu.memory_space<hbm>> -> memref<200x128xf32, #tpu.memory_space<hbm>>
    %dma_wait3A_142 = arith.constant 0 : i32
    %dma_wait3A_143 = tpu.memref_slice %arg4[%add3A_139, %dma_wait3A_142] : memref<819200x128xf32, #tpu.memory_space<hbm>> -> memref<200x128xf32, #tpu.memory_space<hbm>>
    tpu.wait_dma2 semaphore(%arg15 : memref<!tpu.dma_semaphore, #tpu.memory_space<semaphore_mem>>) src(%arg7 : memref<200x128xf32, #tpu.memory_space<vmem>>) dst(%dma_wait3A_143 : memref<200x128xf32, #tpu.memory_space<hbm>>)
    %dma_wait3A_144 = arith.constant 25200 : i32
    %dma_wait3A_145 = tpu.memref_slice %arg6[%dma_wait3A_144] : memref<25600xi32, #tpu.memory_space<vmem>> -> memref<200xi32, #tpu.memory_space<vmem>>
    %dma_wait3A_146 = arith.constant 0 : i32
    %dma_wait3A_147 = arith.constant 0 : i32
    %dma_wait3A_148 = tpu.memref_slice %arg5[%dma_wait3A_146, %dma_wait3A_147] : memref<7x128xf32, #tpu.memory_space<vmem_shared>> -> memref<7x128xf32, #tpu.memory_space<vmem_shared>>
    tpu.wait_indirect_dma semaphore(%arg13 : memref<!tpu.dma_semaphore, #tpu.memory_space<semaphore_mem>>) src(%dma_wait3A_148 : memref<7x128xf32, #tpu.memory_space<vmem_shared>>) dst(%arg9 : memref<200x128xf32, #tpu.memory_space<vmem>>)
    %add3A_149 = arith.constant 25200 : i32
    %add3A_150 = arith.addi %mul3A_2, %add3A_149 : i32
    %dma_start3A_151 = arith.constant 0 : i32
    %dma_start3A_152 = tpu.memref_slice %arg4[%add3A_150, %dma_start3A_151] : memref<819200x128xf32, #tpu.memory_space<hbm>> -> memref<200x128xf32, #tpu.memory_space<hbm>>
    %dma_start3A_153 = arith.constant 0 : i32
    %dma_start3A_154 = tpu.memref_slice %arg4[%add3A_150, %dma_start3A_153] : memref<819200x128xf32, #tpu.memory_space<hbm>> -> memref<200x128xf32, #tpu.memory_space<hbm>>
    tpu.enqueue_dma source(%arg9 : memref<200x128xf32, #tpu.memory_space<vmem>>) target(%dma_start3A_154 : memref<200x128xf32, #tpu.memory_space<hbm>>) target_semaphore(%arg17 : memref<!tpu.dma_semaphore, #tpu.memory_space<semaphore_mem>>)
    %add3A_155 = arith.constant 25000 : i32
    %add3A_156 = arith.addi %mul3A_2, %add3A_155 : i32
    %dma_wait3A_157 = arith.constant 0 : i32
    %dma_wait3A_158 = tpu.memref_slice %arg4[%add3A_156, %dma_wait3A_157] : memref<819200x128xf32, #tpu.memory_space<hbm>> -> memref<200x128xf32, #tpu.memory_space<hbm>>
    %dma_wait3A_159 = arith.constant 0 : i32
    %dma_wait3A_160 = tpu.memref_slice %arg4[%add3A_156, %dma_wait3A_159] : memref<819200x128xf32, #tpu.memory_space<hbm>> -> memref<200x128xf32, #tpu.memory_space<hbm>>
    tpu.wait_dma2 semaphore(%arg16 : memref<!tpu.dma_semaphore, #tpu.memory_space<semaphore_mem>>) src(%arg8 : memref<200x128xf32, #tpu.memory_space<vmem>>) dst(%dma_wait3A_160 : memref<200x128xf32, #tpu.memory_space<hbm>>)
    %dma_wait3A_161 = arith.constant 25400 : i32
    %dma_wait3A_162 = tpu.memref_slice %arg6[%dma_wait3A_161] : memref<25600xi32, #tpu.memory_space<vmem>> -> memref<200xi32, #tpu.memory_space<vmem>>
    %dma_wait3A_163 = arith.constant 0 : i32
    %dma_wait3A_164 = arith.constant 0 : i32
    %dma_wait3A_165 = tpu.memref_slice %arg5[%dma_wait3A_163, %dma_wait3A_164] : memref<7x128xf32, #tpu.memory_space<vmem_shared>> -> memref<7x128xf32, #tpu.memory_space<vmem_shared>>
    tpu.wait_indirect_dma semaphore(%arg14 : memref<!tpu.dma_semaphore, #tpu.memory_space<semaphore_mem>>) src(%dma_wait3A_165 : memref<7x128xf32, #tpu.memory_space<vmem_shared>>) dst(%arg10 : memref<200x128xf32, #tpu.memory_space<vmem>>)
    %add3A_166 = arith.constant 25400 : i32
    %add3A_167 = arith.addi %mul3A_2, %add3A_166 : i32
    %dma_start3A_168 = arith.constant 0 : i32
    %dma_start3A_169 = tpu.memref_slice %arg4[%add3A_167, %dma_start3A_168] : memref<819200x128xf32, #tpu.memory_space<hbm>> -> memref<200x128xf32, #tpu.memory_space<hbm>>
    %dma_start3A_170 = arith.constant 0 : i32
    %dma_start3A_171 = tpu.memref_slice %arg4[%add3A_167, %dma_start3A_170] : memref<819200x128xf32, #tpu.memory_space<hbm>> -> memref<200x128xf32, #tpu.memory_space<hbm>>
    tpu.enqueue_dma source(%arg10 : memref<200x128xf32, #tpu.memory_space<vmem>>) target(%dma_start3A_171 : memref<200x128xf32, #tpu.memory_space<hbm>>) target_semaphore(%arg18 : memref<!tpu.dma_semaphore, #tpu.memory_space<semaphore_mem>>)
    %add3A_172 = arith.constant 25200 : i32
    %add3A_173 = arith.addi %mul3A_2, %add3A_172 : i32
    %dma_wait3A_174 = arith.constant 0 : i32
    %dma_wait3A_175 = tpu.memref_slice %arg4[%add3A_173, %dma_wait3A_174] : memref<819200x128xf32, #tpu.memory_space<hbm>> -> memref<200x128xf32, #tpu.memory_space<hbm>>
    %dma_wait3A_176 = arith.constant 0 : i32
    %dma_wait3A_177 = tpu.memref_slice %arg4[%add3A_173, %dma_wait3A_176] : memref<819200x128xf32, #tpu.memory_space<hbm>> -> memref<200x128xf32, #tpu.memory_space<hbm>>
    tpu.wait_dma2 semaphore(%arg17 : memref<!tpu.dma_semaphore, #tpu.memory_space<semaphore_mem>>) src(%arg9 : memref<200x128xf32, #tpu.memory_space<vmem>>) dst(%dma_wait3A_177 : memref<200x128xf32, #tpu.memory_space<hbm>>)
    %add3A_178 = arith.constant 25400 : i32
    %add3A_179 = arith.addi %mul3A_2, %add3A_178 : i32
    %dma_wait3A_180 = arith.constant 0 : i32
    %dma_wait3A_181 = tpu.memref_slice %arg4[%add3A_179, %dma_wait3A_180] : memref<819200x128xf32, #tpu.memory_space<hbm>> -> memref<200x128xf32, #tpu.memory_space<hbm>>
    %dma_wait3A_182 = arith.constant 0 : i32
    %dma_wait3A_183 = tpu.memref_slice %arg4[%add3A_179, %dma_wait3A_182] : memref<819200x128xf32, #tpu.memory_space<hbm>> -> memref<200x128xf32, #tpu.memory_space<hbm>>
    tpu.wait_dma2 semaphore(%arg18 : memref<!tpu.dma_semaphore, #tpu.memory_space<semaphore_mem>>) src(%arg10 : memref<200x128xf32, #tpu.memory_space<vmem>>) dst(%dma_wait3A_183 : memref<200x128xf32, #tpu.memory_space<hbm>>)
    return
  }
}

</mosaic_0001>

<sc_bundles>
// kernel: _lookup.3.cloned.1.call-start
scs
__scs_entry_jumppad:
0x0: {  	(pc) =	sbr.rel $0x88, $3  }
0x1: {  	(tag) =	ssettag $0x0;
	lr =	simm.s32 $0x1  }
0x2: {  	[smem:$0x3F9F] =	sst lr;
	_ =	strace $0xD0000000  }
0x3: {  	_ = 	snop  }
0x4: {  	_ = 	snop  }
0x5: {  	_ = 	snop  }
0x6: {  	_ = 	snop  }
0x7: {  	_ = 	snop  }
__scs_overlays_trampoline_lowered:
0x8: {  	[smem:$0x3FAE] =	sst s0  }
0x9: {  	[smem:$0x3FAF] =	sst s1  }
0xa: {  	[smem:$0x3FB0] =	sst s2  }
0xb: {  	[smem:$0x3FB1] =	sst s3  }
0xc: {  	[smem:$0x3FB2] =	sst s4  }
0xd: {  	[smem:$0x3FB3] =	sst s5  }
0xe: {  	[smem:$0x3FB4] =	sst s6  }
0xf: {  	[smem:$0x3FB5] =	sst s7  }
0x10: {  	[smem:$0x3FB6] =	sst s8  }
0x11: {  	[smem:$0x3FB7] =	sst s9;
	s0 =	simm.s32 @!p0 $0x0  }
0x12: {  	s1 =	sld [smem:$0x3F9D];
	s0 =	simm.s32 @p0 $0x1  }
0x13: {  	[smem:$0x3FB8] =	sst s0;
	s0 =	simm.s32 @!p1 $0x0  }
0x14: {  	s2 =	sld [smem:$0x3F9C];
	s0 =	simm.s32 @p1 $0x1  }
0x15: {  	[smem:$0x3FB9] =	sst s0;
	s0 =	simm.s32 @!p2 $0x0  }
0x16: {  	s3 =	sld [smem:$0x3FDB];
	s0 =	simm.s32 @p2 $0x1  }
0x17: {  	s4 =	simm.s32 $0x1BF5;
	[smem:$0x3FBB] =	sst s0  }
0x18: {  	s0 =	sld [smem:$0x3F9E];
	_ =	swait.ge [sflag:s4], $0x0  }
0x19: {  	s7 =	sld [smem:$0x3F9F]  }
0x1a: {  	s8 =	sadd.s32 $0xFFFFE003, lr  }
0x1b: {  	s9 =	sadd.s32 $0xFFFFFEF7, lr;
	s5 =	simm.s32 $0xFFFFFFFF;
	p2 =	slt.u32 s8, $0xFFFFF086  }
0x1c: {  	p1 =	slt.u32 s9, $0xF7A;
	s5 =	simm.s32 @!p2 $0x0  }
0x1d: {  	s5 =	simm.s32 @p1 $0x1;
	p0 =	seq.s32 s7, s2  }
0x1e: {  	s7 =	smul.u32 @!p0 $0xF7A, s2;
	p2 =	seq.s32 @!p0 s5, $0x0  }
0x1f: {  	s9 =	smul.u32 $0xF7A, s1;
	s8 =	simm.s32 @!p0 $0x1BF5;
	p2 =	por !p2, p0  }
0x20: {  	[sflag:s8] =	ssyncset.s32 @!p0 $0xFFFFF086;
	s6 =	sadd.s32 @!p0 s3, s7;
	s7 =	simm.s32 @!p0 $0x108  }
0x21: {  	s3 =	sadd.s32 s3, s9;
	s6 =	sadd.s32 @!p0 $0x88, s6;
	s7 =	simm.s32 @p2 $0x1082  }
0x22: {  	[simem:s7], [sflag:s8] =	dma.local @!p0 [hbm:s6], $0xF7A  }
0x23: {  	s9 =	sor.u32 $0xD0000000, s2;
	s6 =	simm.s32 $0x108;
	_ =	swait.ge @!p0 [sflag:s8], $0x0  }
0x24: {  	s3 =	sadd.s32 $0x88, s3;
	s6 =	simm.s32 @!p1 $0x1082;
	[sflag:s4] =	ssyncset.s32 $0xFFFFF086  }
0x25: {  	[simem:s6], [sflag:s4] =	dma.local [hbm:s3], $0xF7A  }
0x26: {  	[smem:$0x3F9F] =	sst s1;
	(tag) =	ssettag s2;
	_ =	strace s9  }
0x27: {  	s1 =	sld [smem:$0x3FAF]  }
0x28: {  	s2 =	sld [smem:$0x3FB0]  }
0x29: {  	s4 =	sld [smem:$0x3FB2]  }
0x2a: {  	p0 =	seq.s32 s5, $0x0;
	s5 =	sld [smem:$0x3FB3]  }
0x2b: {  	s6 =	sld [smem:$0x3FB4]  }
0x2c: {  	s7 =	sld [smem:$0x3FB5]  }
0x2d: {  	s3 =	simm.s32 $0x108;
	s8 =	sld [smem:$0x3FB6]  }
0x2e: {  	s3 =	simm.s32 @!p0 $0x1082;
	s9 =	sld [smem:$0x3FB7]  }
0x2f: {  	lr =	sadd.s32 s0, s3;
	s0 =	sld [smem:$0x3FAE]  }
0x30: {  	s3 =	sld [smem:$0x3FB1]  }
0x31: {  	[smem:$0x3FBA] =	sst s10  }
0x32: {  	s10 =	sld [smem:$0x3FB8];
	_ =	sdelay $0x3  }
0x33: {  	p0 =	seq.s32 s10, $0x1;
	s10 =	sld [smem:$0x3FBA];
	_ =	sdelay $0x3  }
0x34: {  	[smem:$0x3FBA] =	sst s10  }
0x35: {  	s10 =	sld [smem:$0x3FB9];
	_ =	sdelay $0x3  }
0x36: {  	p1 =	seq.s32 s10, $0x1;
	s10 =	sld [smem:$0x3FBA];
	_ =	sdelay $0x3  }
0x37: {  	[smem:$0x3FBA] =	sst s10  }
0x38: {  	s10 =	sld [smem:$0x3FBB]  }
0x39: {  	_ = 	snop;
	(pc) =	sbr.ind lr, $3  }
0x3a: {  	_ = 	snop  }
0x3b: {  	_ = 	snop  }
0x3c: {  	p2 =	seq.s32 s10, $0x1;
	s10 =	sld [smem:$0x3FBA]  }
0x3d: {  	_ =	shalt  }
0x3e: {  	_ =	shalt  }
0x3f: {  	_ =	shalt  }
0x40: {  	_ =	shalt  }
0x41: {  	_ =	shalt  }
0x42: {  	_ =	shalt  }
0x43: {  	_ =	shalt  }
0x44: {  	_ =	shalt  }
0x45: {  	_ =	shalt  }
0x46: {  	_ =	shalt  }
0x47: {  	_ =	shalt  }
0x48: {  	_ =	shalt  }
0x49: {  	_ =	shalt  }
0x4a: {  	_ =	shalt  }
0x4b: {  	_ =	shalt  }
0x4c: {  	_ =	shalt  }
0x4d: {  	_ =	shalt  }
0x4e: {  	_ =	shalt  }
0x4f: {  	_ =	shalt  }
0x50: {  	_ =	shalt  }
0x51: {  	_ =	shalt  }
0x52: {  	_ =	shalt  }
0x53: {  	_ =	shalt  }
0x54: {  	_ =	shalt  }
0x55: {  	_ =	shalt  }
0x56: {  	_ =	shalt  }
0x57: {  	_ =	shalt  }
0x58: {  	_ =	shalt  }
0x59: {  	_ =	shalt  }
0x5a: {  	_ =	shalt  }
0x5b: {  	_ =	shalt  }
0x5c: {  	_ =	shalt  }
0x5d: {  	_ =	shalt  }
0x5e: {  	_ =	shalt  }
0x5f: {  	_ =	shalt  }
0x60: {  	_ =	shalt  }
0x61: {  	_ =	shalt  }
0x62: {  	_ =	shalt  }
0x63: {  	_ =	shalt  }
0x64: {  	_ =	shalt  }
0x65: {  	_ =	shalt  }
0x66: {  	_ =	shalt  }
0x67: {  	_ =	shalt  }
0x68: {  	_ =	shalt  }
0x69: {  	_ =	shalt  }
0x6a: {  	_ =	shalt  }
0x6b: {  	_ =	shalt  }
0x6c: {  	_ =	shalt  }
0x6d: {  	_ =	shalt  }
0x6e: {  	_ =	shalt  }
0x6f: {  	_ =	shalt  }
0x70: {  	_ =	shalt  }
0x71: {  	_ =	shalt  }
0x72: {  	_ =	shalt  }
0x73: {  	_ =	shalt  }
0x74: {  	_ =	shalt  }
0x75: {  	_ =	shalt  }
0x76: {  	_ =	shalt  }
0x77: {  	_ =	shalt  }
0x78: {  	_ =	shalt  }
0x79: {  	_ =	shalt  }
0x7a: {  	_ =	shalt  }
0x7b: {  	_ =	shalt  }
0x7c: {  	_ =	shalt  }
0x7d: {  	_ =	shalt  }
0x7e: {  	_ =	shalt  }
0x7f: {  	_ =	shalt  }
0x80: {  	_ =	shalt  }
0x81: {  	_ =	shalt  }
0x82: {  	_ =	shalt  }
0x83: {  	_ =	shalt  }
0x84: {  	_ =	shalt  }
0x85: {  	_ =	shalt  }
0x86: {  	_ =	shalt  }
0x87: {  	_ =	shalt  }
.Lfunc_end0:
.L_simem_size_0:
called_computation_lowered:
.L_overlay_start_0:
0x88: {  	s2 =	sld [smem:$0x3FD9]  }
0x89: {  	s3 =	sld [smem:$0x3FFE];
	_ =	sdelay $0x1  }
0x8a: {  	s1 =	srdreg.scid  }
0x8b: {  	s0 =	sand.u32 $0x1, s1  }
0x8c: {  	s18 =	sshll.u32 s0, $0xA;
	s2 =	sadd.s32 s3, s2  }
0x8d: {  	s2 =	sadd.s32 s2, s18  }
0x8e: {  	[smem:$0x3FC6] =	sst s2  }
0x8f: {  	_ = 	snop  }
0x90: {  	s2 =	sld [smem:$0x3FC9]  }
0x91: {  	s19 =	sld [smem:$0x3FC8]  }
0x92: {  	s4 =	sld [smem:$0x3FD0];
	(tm) =	ssettm $0x1  }
0x93: {  	s5 =	sld [smem:$0x3FFB];
	_ =	sdelay $0x3  }
0x94: {  	_ =	strace s5  }
0x95: {  	s5 =	sld [smem:$0x3FFC];
	_ =	sdelay $0x3  }
0x96: {  	_ =	strace s5  }
0x97: {  	s5 =	sld [smem:$0x3FFD];
	_ =	sdelay $0x3  }
0x98: {  	_ =	strace s5  }
0x99: {  	_ =	strace $0x8FFFFFFF  }
0x9a: {  	s20 =	sld [smem:$0x3FDB];
	_ =	sdelay $0x1  }
0x9b: {  	s6 =	simm.s32 $_scs_section_size  }
0x9c: {  	s7 =	simm.s32 $_size__tile_overlayer_lowered;
	s8 =	simm.s32 $_tile_overlayer_lowered  }
0x9d: {  	s23 =	simm.s32 $0x1BFF;
	s22 =	sshll.u32 s8, $0x1;
	s5 =	sadd.s32 s6, s20  }
0x9e: {  	s9 =	simm.s32 $0x0;
	s21 =	sshll.u32 s7, $0x1;
	s7 =	sadd.s32 s22, s5  }
0x9f: {  	[timem:s9], [sflag:s23] =	dma.local [hbm:s7], s21  }
0xa0: {  	_ =	swait.ge [sflag:s23], s21  }
0xa1: {  	s6 =	ssub.s32 $0x0, s21;
	[sflag:s23] =	ssyncset.done $0x0  }
0xa2: {  	[sflag:s23] =	ssyncadd.s32 s6;
	_ =	sdelay $0x1  }
0xa3: {  	s24 =	simm.s32 $0x1B8B  }
0xa4: {  	_ =	swait.ge [sflag:s24], $0x1  }
0xa5: {  	[sflag:s24] =	ssyncset.done $0x0  }
0xa6: {  	s25 =	simm.s32 $0x1B8E;
	[sflag:s24] =	ssyncadd.s32 $0xFFFFFFFF  }
0xa7: {  	s26 =	simm.s32 $execute0_lowered;
	[smem:$0x3FD2] =	sst s25  }
0xa8: {  	s6 =	sshll.u32 s26, $0x1;
	_ =	strace $0x80000046;
	[dreg:$0x1] =	wrdreg $0xFFFFFFFF  }
0xa9: {  	s28 =	simm.s32 $_size_execute0_lowered;
	s5 =	sadd.s32 s5, s6;
	[dreg:$0x0] =	wrdreg $0x0  }
0xaa: {  	s6 =	sshll.u32 s28, $0x1;
	[dreg:$0x2] =	wrdreg s5  }
0xab: {  	[dreg:$0x3] =	wrdreg s6  }
0xac: {  	[dreg:$0x4] =	wrdreg $0xC0  }
0xad: {  	_ =	task [dreg:s9], $0x5FFFF  }
0xae: {  	[dreg:$0x1] =	wrdreg $0xFFFFFFFF  }
0xaf: {  	[dreg:$0x0] =	wrdreg $0x60  }
0xb0: {  	[dreg:$0x2] =	wrdreg s2  }
0xb1: {  	[dreg:$0x3] =	wrdreg s19  }
0xb2: {  	[dreg:$0x4] =	wrdreg s4  }
0xb3: {  	[dreg:$0x5] =	wrdreg $0x0  }
0xb4: {  	[dreg:$0x6] =	wrdreg $0x9  }
0xb5: {  	_ =	task.clear_ibuf [dreg:s9], $0x7FFFF;
	_ =	strace $0x90000046  }
0xb6: {  	s29 =	simm.s32 $0x9;
	_ =	strace $0x80000048  }
0xb7: {  	_ =	swait.ge [sflag:s29], $0x1  }
0xb8: {  	[sflag:s29] =	ssyncadd.s32 $0xFFFFFFFF  }
0xb9: {  	_ =	strace $0x90000048  }
0xba: {  	_ =	sfence  }
0xbb: {  	s30 =	sld [smem:$0x0];
	_ =	sdelay $0x2  }
0xbc: {  	s31 =	sshll.u32 s1, $0xD;
	s1 =	sshrl.u32 s1, $0x2  }
0xbd: {  	s3 =	sand.u32 $0x4000, s31;
	s1 =	sadd.s32 s1, s30  }
0xbe: {  	s0 =	sor.u32 s3, s0;
	s1 =	sshll.u32 s1, $0x11  }
0xbf: {  	s0 =	sor.u32 s1, s0  }
0xc0: {  	s0 =	sadd.s32 $0x8F2B, s0  }
0xc1: {  	[sflag:s0] =	ssyncadd.remote.s32 $0x1  }
0xc2: {  	_ =	sfence.sel $0xFFFF  }
0xc3: {  	[dreg:$0x0] =	wrdreg $0xFFFFFFFF;
	(pc) =	sbr.abs _section_cstart, $3  }
0xc4: {  	[dreg:$0x1] =	wrdreg $0xFFFFFFFF  }
0xc5: {  	_ =	task.clear_ibuf [dreg:s9], $0x2FFFF;
	_ =	strace $0x9FFFFFFF  }
0xc6: {  	(tm) =	ssettm $0x7FFFFFFF  }
0xc7: {  	_ =	shalt  }
tec
execute0_lowered:
.L_overlay_start_1:
0x0: {  	(tag) =	ssettag $0x1  }
0x1: {  	s0 =	rddreg [dreg:$0x0]  }
0x2: {  	s1 =	srdreg.scid;
	s6 =	rddreg [dreg:$0x2]  }
0x3: {  	s5 =	stileid.u32;
	s2 =	rddreg [dreg:$0x3]  }
0x4: {  	s16 =	simm.s32 $0x38;
	s17 =	simm.s32 $0x9;
	s18 =	simm.s32 $0xC8  }
0x5: {  	s19 =	simm.s32 $0x6438;
	s28 =	simm.s32 $0x2;
	s29 =	simm.s32 $0x5  }
0x6: {  	s31 =	simm.s32 $0x3;
	s20 =	simm.s32 $0x4;
	s30 =	simm.s32 $0x8  }
0x7: {  	s1 =	sand.u32 $0x1, s1;
	s3 =	sshll.u32 s5, $0x1;
	s25 =	smul.u32 $0xC8000, s5  }
0x8: {  	s7 =	sor.u32 s1, s3;
	s8 =	ssub.s32 $0x2, s1;
	s1 =	smul.u32 $0x64000, s1  }
0x9: {  	p0 =	sne.s32 s5, $0x0;
	s3 =	simm.s32 $0x0;
	s4 =	smul.u32 $0x6400, s7  }
0xa: {  	s15 =	sshrl.u32 @!p0 s2, $0x3;
	[smem:$0x7FF] =	sst s3;
	s9 =	smul.u32 $0x64000, s7  }
0xb: {  	s10 =	sshrl.u32 s8, $0x1;
	s21 =	smul.u32 $0x320000, s7;
	_ =	strace $0x80000047  }
0xc: {  	s13 =	ssub.s32 s8, s10;
	s11 =	sshrl.u32 s4, $0x3;
	s4 =	sadd.s32 s6, s9  }
0xd: {  	s24 =	sshrl.u32 s21, $0x3;
	s13 =	smax.u32 s13, $0x1;
	s0 =	sadd.s32 s0, s11  }
0xe: {  	s21 =	simm.s32 $0xC838;
	s22 =	sadd.s32 $0xC80, s4;
	[dreg:$0x5] =	wrdreg s0  }
0xf: {  	s23 =	sadd.s32 $0x1900, s4;
	s8 =	sadd.s32 $0x2580, s4;
	[dreg:$0x6] =	wrdreg s22  }
0x10: {  	[dreg:$0x7] =	wrdreg s23;
	s0 =	sadd.s32 s6, s24;
	s6 =	sadd.s32 s25, s6  }
0x11: {  	s23 =	simm.s32 $0x12C38;
	s24 =	simm.s32 $0x1;
	s22 =	simm.s32 $0x7  }
0x12: {  	s25 =	simm.s32 $0x0;
	s9 =	sadd.s32 $0x60E00, s0;
	s10 =	sadd.s32 $0x61A80, s0  }
0x13: {  	s11 =	sadd.s32 $0x62700, s0;
	s12 =	sadd.s32 $0x63380, s0;
	s26 =	sadd.s32 s1, s6  }
0x14: {  	s1 =	simm.s32 $0x6;
	s14 =	sadd.s32 $0x5780, s26;
	s26 =	simm.s32 $0x19038  }
.LBB2_1:
0x15: {  	s0 =	simm.s32 @!p0 $0x1C09;
	s5 =	rddreg [dreg:$0x1]  }
0x16: {  	[spmem:s15], [sflag:s0] =	dma.local @!p0 [hbm:s5], $0x70  }
0x17: {  	s0 =	simm.s32 @!p0 $0x9  }
0x18: {  	_ =	swait.ge @!p0 [sflag:s0], $0x70  }
0x19: {  	[sflag:s0] =	ssyncset.done @!p0 $0x0  }
0x1a: {  	s5 =	rddreg [dreg:$0x5];
	[sflag:s0] =	ssyncadd.s32 @!p0 $0xFFFFFF90  }
0x1b: {  	[tilespmem:s16], [sflag:$0x9] =	stream.linear.gather [hbm4b:s5+s3], $0x6400, $0x38;
	[tilespmem:$0x1F438] =	vst v63  }
0x1c: {  	_ =	swait.ge [sflag:s17], $0x6400  }
0x1d: {  	[sflag:s17] =	ssyncset.done $0x0  }
0x1e: {  	[sflag:s17] =	ssyncadd.s32 $0xFFFF9C00  }
0x1f: {  	[bflag:$0x0] =	sbarrier.arrive $0xFFFF  }
0x20: {  	[tilespmem:s19], [sflag:$0x1] =	stream.indirect.gather [spmem:s2], $0x80, s16, s18, $0xb8;
	[tilespmem:$0x1F438] =	vst v63  }
0x21: {  	s6 =	simm.s32 $0x100  }
0x22: {  	[tilespmem:s21], [sflag:$0x2] =	stream.indirect.gather [spmem:s2], $0x80, s6, s18, $0xb8;
	[tilespmem:$0x1F438] =	vst v63  }
0x23: {  	s7 =	simm.s32 $0x1C8  }
0x24: {  	[tilespmem:s23], [sflag:$0x3] =	stream.indirect.gather [spmem:s2], $0x80, s7, s18, $0xb8;
	[tilespmem:$0x1F438] =	vst v63  }
0x25: {  	_ =	swait.ge [sflag:s24], $0x6400  }
0x26: {  	[sflag:s24] =	ssyncset.done $0x0  }
0x27: {  	[sflag:s24] =	ssyncadd.s32 $0xFFFF9C00  }
0x28: {  	[hbm4b:s4+s3] =	stream.linear.scatter [tilespmem:s19], [sflag:$0x5], $0x6400, $0x38;
	[tilespmem:$0x1F438] =	vst v63  }
0x29: {  	s5 =	simm.s32 $0x290  }
0x2a: {  	[tilespmem:s26], [sflag:$0x4] =	stream.indirect.gather [spmem:s2], $0x80, s5, s18, $0xb8;
	[tilespmem:$0x1F438] =	vst v63  }
0x2b: {  	_ =	swait.ge [sflag:s28], $0x6400  }
0x2c: {  	[sflag:s28] =	ssyncset.done $0x0  }
0x2d: {  	s6 =	rddreg [dreg:$0x6];
	[sflag:s28] =	ssyncadd.s32 $0xFFFF9C00  }
0x2e: {  	[hbm4b:s6+s3] =	stream.linear.scatter [tilespmem:s21], [sflag:$0x6], $0x6400, $0x38;
	[tilespmem:$0x1F438] =	vst v63  }
0x2f: {  	_ =	swait.ge [sflag:s29], $0x6400  }
0x30: {  	[sflag:s29] =	ssyncset.done $0x0  }
0x31: {  	s7 =	simm.s32 $0x358;
	[sflag:s29] =	ssyncadd.s32 $0xFFFF9C00  }
0x32: {  	[tilespmem:s19], [sflag:$0x1] =	stream.indirect.gather [spmem:s2], $0x80, s7, s18, $0xb8;
	[tilespmem:$0x1F438] =	vst v63  }
0x33: {  	_ =	swait.ge [sflag:s31], $0x6400  }
0x34: {  	[sflag:s31] =	ssyncset.done $0x0  }
0x35: {  	s5 =	rddreg [dreg:$0x7];
	[sflag:s31] =	ssyncadd.s32 $0xFFFF9C00  }
0x36: {  	[hbm4b:s5+s3] =	stream.linear.scatter [tilespmem:s23], [sflag:$0x7], $0x6400, $0x38;
	[tilespmem:$0x1F438] =	vst v63  }
0x37: {  	_ =	swait.ge [sflag:s1], $0x6400  }
0x38: {  	[sflag:s1] =	ssyncset.done $0x0  }
0x39: {  	s6 =	simm.s32 $0x420;
	[sflag:s1] =	ssyncadd.s32 $0xFFFF9C00  }
0x3a: {  	[tilespmem:s21], [sflag:$0x2] =	stream.indirect.gather [spmem:s2], $0x80, s6, s18, $0xb8;
	[tilespmem:$0x1F438] =	vst v63  }
0x3b: {  	_ =	swait.ge [sflag:s20], $0x6400  }
0x3c: {  	[sflag:s20] =	ssyncset.done $0x0  }
0x3d: {  	[sflag:s20] =	ssyncadd.s32 $0xFFFF9C00  }
0x3e: {  	[hbm4b:s8+s3] =	stream.linear.scatter [tilespmem:s26], [sflag:$0x8], $0x6400, $0x38;
	[tilespmem:$0x1F438] =	vst v63  }
0x3f: {  	_ =	swait.ge [sflag:s22], $0x6400  }
0x40: {  	[sflag:s22] =	ssyncset.done $0x0  }
0x41: {  	s7 =	simm.s32 $0x4E8;
	[sflag:s22] =	ssyncadd.s32 $0xFFFF9C00  }
0x42: {  	[tilespmem:s23], [sflag:$0x3] =	stream.indirect.gather [spmem:s2], $0x80, s7, s18, $0xb8;
	[tilespmem:$0x1F438] =	vst v63  }
0x43: {  	_ =	swait.ge [sflag:s24], $0x6400  }
0x44: {  	[sflag:s24] =	ssyncset.done $0x0  }
0x45: {  	s5 =	sadd.s32 $0xFFFFDA80, s14;
	[sflag:s24] =	ssyncadd.s32 $0xFFFF9C00  }
0x46: {  	[hbm4b:s5+s3] =	stream.linear.scatter [tilespmem:s19], [sflag:$0x5], $0x6400, $0x38;
	[tilespmem:$0x1F438] =	vst v63  }
0x47: {  	_ =	swait.ge [sflag:s30], $0x6400  }
0x48: {  	[sflag:s30] =	ssyncset.done $0x0  }
0x49: {  	s6 =	simm.s32 $0x5B0;
	[sflag:s30] =	ssyncadd.s32 $0xFFFF9C00  }
0x4a: {  	[tilespmem:s26], [sflag:$0x4] =	stream.indirect.gather [spmem:s2], $0x80, s6, s18, $0xb8;
	[tilespmem:$0x1F438] =	vst v63  }
0x4b: {  	_ =	swait.ge [sflag:s28], $0x6400  }
0x4c: {  	[sflag:s28] =	ssyncset.done $0x0  }
0x4d: {  	s7 =	sadd.s32 $0xFFFFE700, s14;
	[sflag:s28] =	ssyncadd.s32 $0xFFFF9C00  }
0x4e: {  	[hbm4b:s7+s3] =	stream.linear.scatter [tilespmem:s21], [sflag:$0x6], $0x6400, $0x38;
	[tilespmem:$0x1F438] =	vst v63  }
0x4f: {  	_ =	swait.ge [sflag:s29], $0x6400  }
0x50: {  	[sflag:s29] =	ssyncset.done $0x0  }
0x51: {  	s5 =	simm.s32 $0x678;
	[sflag:s29] =	ssyncadd.s32 $0xFFFF9C00  }
0x52: {  	[tilespmem:s19], [sflag:$0x1] =	stream.indirect.gather [spmem:s2], $0x80, s5, s18, $0xb8;
	[tilespmem:$0x1F438] =	vst v63  }
0x53: {  	_ =	swait.ge [sflag:s31], $0x6400  }
0x54: {  	[sflag:s31] =	ssyncset.done $0x0  }
0x55: {  	s6 =	sadd.s32 $0xFFFFF380, s14;
	[sflag:s31] =	ssyncadd.s32 $0xFFFF9C00  }
0x56: {  	[hbm4b:s6+s3] =	stream.linear.scatter [tilespmem:s23], [sflag:$0x7], $0x6400, $0x38;
	[tilespmem:$0x1F438] =	vst v63  }
0x57: {  	_ =	swait.ge [sflag:s1], $0x6400  }
0x58: {  	[sflag:s1] =	ssyncset.done $0x0  }
0x59: {  	s7 =	simm.s32 $0x740;
	[sflag:s1] =	ssyncadd.s32 $0xFFFF9C00  }
0x5a: {  	[tilespmem:s21], [sflag:$0x2] =	stream.indirect.gather [spmem:s2], $0x80, s7, s18, $0xb8;
	[tilespmem:$0x1F438] =	vst v63  }
0x5b: {  	_ =	swait.ge [sflag:s20], $0x6400  }
0x5c: {  	[sflag:s20] =	ssyncset.done $0x0  }
0x5d: {  	[sflag:s20] =	ssyncadd.s32 $0xFFFF9C00  }
0x5e: {  	[hbm4b:s14+s3] =	stream.linear.scatter [tilespmem:s26], [sflag:$0x8], $0x6400, $0x38;
	[tilespmem:$0x1F438] =	vst v63  }
0x5f: {  	_ =	swait.ge [sflag:s22], $0x6400  }
0x60: {  	s0 =	simm.s32 $0xC80;
	[sflag:s22] =	ssyncset.done $0x0  }
0x61: {  	s5 =	sadd.s32 $0x3200, s14;
	s6 =	simm.s32 $0x808;
	[sflag:s22] =	ssyncadd.s32 $0xFFFF9C00  }
.LBB2_2:
0x62: {  	[tilespmem:s23], [sflag:$0x3] =	stream.indirect.gather [spmem:s2], $0x80, s6, s18, $0xb8;
	[tilespmem:$0x1F438] =	vst v63  }
0x63: {  	s6 =	smov.u32 s0  }
0x64: {  	p1 =	sne.s32 s0, $0x16A80;
	s0 =	sadd.s32 $0xC80, s0;
	_ =	swait.ge [sflag:s24], $0x6400  }
0x65: {  	[sflag:s24] =	ssyncset.done $0x0  }
0x66: {  	s7 =	sadd.s32 $0xFFFFDA80, s5;
	[sflag:s24] =	ssyncadd.s32 $0xFFFF9C00  }
0x67: {  	[hbm4b:s7+s3] =	stream.linear.scatter [tilespmem:s19], [sflag:$0x5], $0x6400, $0x38;
	[tilespmem:$0x1F438] =	vst v63  }
0x68: {  	_ =	swait.ge [sflag:s30], $0x6400  }
0x69: {  	s6 =	sshra.s32 s6, $0x2;
	[sflag:s30] =	ssyncset.done $0x0  }
0x6a: {  	s7 =	sadd.s32 $0x5B0, s6;
	[sflag:s30] =	ssyncadd.s32 $0xFFFF9C00  }
0x6b: {  	[tilespmem:s26], [sflag:$0x4] =	stream.indirect.gather [spmem:s2], $0x80, s7, s18, $0xb8;
	[tilespmem:$0x1F438] =	vst v63  }
0x6c: {  	_ =	swait.ge [sflag:s28], $0x6400  }
0x6d: {  	[sflag:s28] =	ssyncset.done $0x0  }
0x6e: {  	s7 =	sadd.s32 $0xFFFFE700, s5;
	[sflag:s28] =	ssyncadd.s32 $0xFFFF9C00  }
0x6f: {  	[hbm4b:s7+s3] =	stream.linear.scatter [tilespmem:s21], [sflag:$0x6], $0x6400, $0x38;
	[tilespmem:$0x1F438] =	vst v63  }
0x70: {  	_ =	swait.ge [sflag:s29], $0x6400  }
0x71: {  	[sflag:s29] =	ssyncset.done $0x0  }
0x72: {  	s7 =	sadd.s32 $0x678, s6;
	[sflag:s29] =	ssyncadd.s32 $0xFFFF9C00  }
0x73: {  	[tilespmem:s19], [sflag:$0x1] =	stream.indirect.gather [spmem:s2], $0x80, s7, s18, $0xb8;
	[tilespmem:$0x1F438] =	vst v63  }
0x74: {  	_ =	swait.ge [sflag:s31], $0x6400  }
0x75: {  	[sflag:s31] =	ssyncset.done $0x0  }
0x76: {  	s7 =	sadd.s32 $0xFFFFF380, s5;
	[sflag:s31] =	ssyncadd.s32 $0xFFFF9C00  }
0x77: {  	[hbm4b:s7+s3] =	stream.linear.scatter [tilespmem:s23], [sflag:$0x7], $0x6400, $0x38;
	[tilespmem:$0x1F438] =	vst v63  }
0x78: {  	_ =	swait.ge [sflag:s1], $0x6400  }
0x79: {  	[sflag:s1] =	ssyncset.done $0x0  }
0x7a: {  	s7 =	sadd.s32 $0x740, s6;
	[sflag:s1] =	ssyncadd.s32 $0xFFFF9C00  }
0x7b: {  	[tilespmem:s21], [sflag:$0x2] =	stream.indirect.gather [spmem:s2], $0x80, s7, s18, $0xb8;
	[tilespmem:$0x1F438] =	vst v63  }
0x7c: {  	_ =	swait.ge [sflag:s20], $0x6400  }
0x7d: {  	[sflag:s20] =	ssyncset.done $0x0  }
.Ltmp0:
0x7e: {  	[sflag:s20] =	ssyncadd.s32 $0xFFFF9C00;
	(pc) =	sbr.rel @p1 .LBB2_2-.Ltmp0, $4  }
0x7f: {  	[hbm4b:s5+s3] =	stream.linear.scatter [tilespmem:s26], [sflag:$0x8], $0x6400, $0x38;
	[tilespmem:$0x1F438] =	vst v63  }
0x80: {  	_ =	swait.ge [sflag:s22], $0x6400  }
0x81: {  	[sflag:s22] =	ssyncset.done $0x0  }
0x82: {  	s6 =	sadd.s32 $0x808, s6;
	s5 =	sadd.s32 $0x3200, s5;
	[sflag:s22] =	ssyncadd.s32 $0xFFFF9C00  }
0x83: {  	[tilespmem:s23], [sflag:$0x3] =	stream.indirect.gather [spmem:s2], $0x80, s6, s18, $0xb8;
	[tilespmem:$0x1F438] =	vst v63  }
0x84: {  	_ =	swait.ge [sflag:s24], $0x6400  }
0x85: {  	[sflag:s24] =	ssyncset.done $0x0  }
0x86: {  	[sflag:s24] =	ssyncadd.s32 $0xFFFF9C00  }
0x87: {  	[hbm4b:s9+s3] =	stream.linear.scatter [tilespmem:s19], [sflag:$0x5], $0x6400, $0x38;
	[tilespmem:$0x1F438] =	vst v63  }
0x88: {  	_ =	swait.ge [sflag:s30], $0x6400  }
0x89: {  	[sflag:s30] =	ssyncset.done $0x0  }
0x8a: {  	s0 =	simm.s32 $0x6370;
	[sflag:s30] =	ssyncadd.s32 $0xFFFF9C00  }
0x8b: {  	[tilespmem:s26], [sflag:$0x4] =	stream.indirect.gather [spmem:s2], $0x80, s0, s18, $0xb8;
	[tilespmem:$0x1F438] =	vst v63  }
0x8c: {  	_ =	swait.ge [sflag:s28], $0x6400  }
0x8d: {  	[sflag:s28] =	ssyncset.done $0x0  }
0x8e: {  	[sflag:s28] =	ssyncadd.s32 $0xFFFF9C00  }
0x8f: {  	[hbm4b:s10+s3] =	stream.linear.scatter [tilespmem:s21], [sflag:$0x6], $0x6400, $0x38;
	[tilespmem:$0x1F438] =	vst v63  }
0x90: {  	_ =	swait.ge [sflag:s29], $0x6400  }
0x91: {  	[sflag:s29] =	ssyncset.done $0x0  }
0x92: {  	[sflag:s29] =	ssyncadd.s32 $0xFFFF9C00  }
0x93: {  	_ =	swait.ge [sflag:s31], $0x6400  }
0x94: {  	[sflag:s31] =	ssyncset.done $0x0  }
0x95: {  	[sflag:s31] =	ssyncadd.s32 $0xFFFF9C00  }
0x96: {  	[hbm4b:s11+s3] =	stream.linear.scatter [tilespmem:s23], [sflag:$0x7], $0x6400, $0x38;
	[tilespmem:$0x1F438] =	vst v63  }
0x97: {  	_ =	swait.ge [sflag:s1], $0x6400  }
0x98: {  	[sflag:s1] =	ssyncset.done $0x0  }
0x99: {  	[sflag:s1] =	ssyncadd.s32 $0xFFFF9C00  }
0x9a: {  	_ =	swait.ge [sflag:s20], $0x6400  }
0x9b: {  	[sflag:s20] =	ssyncset.done $0x0  }
0x9c: {  	s25 =	sadd.s32 $0x1, s25;
	[sflag:s20] =	ssyncadd.s32 $0xFFFF9C00  }
0x9d: {  	[hbm4b:s12+s3] =	stream.linear.scatter [tilespmem:s26], [sflag:$0x8], $0x6400, $0x38;
	[tilespmem:$0x1F438] =	vst v63  }
0x9e: {  	p1 =	sne.s32 s25, s13;
	_ =	swait.ge [sflag:s22], $0x6400  }
.Ltmp1:
0x9f: {  	[sflag:s22] =	ssyncset.done $0x0;
	(pc) =	sbr.rel @p1 .LBB2_1-.Ltmp1, $4  }
0xa0: {  	[sflag:s22] =	ssyncadd.s32 $0xFFFF9C00  }
0xa1: {  	_ =	swait.ge [sflag:s30], $0x6400  }
0xa2: {  	[sflag:s30] =	ssyncset.done $0x0  }
0xa3: {  	[sflag:s30] =	ssyncadd.s32 $0xFFFF9C00  }
0xa4: {  	_ =	sfence.sel $0x180000  }
0xa5: {  	[bflag:$0x0] =	sbarrier.arrive $0xFFFF  }
0xa6: {  	_ =	strace $0x90000047  }
0xa7: {  	[bflag:$0x2] =	sbarrier.arrive $0xFFFF  }
0xa8: {  	s0 =	rddreg [dreg:$0x4]  }
0xa9: {  	s0 =	sadd.s32 @!p0 $0x100000, s0  }
0xaa: {  	[sflag:s0] =	ssyncadd.tile.s32 @!p0 $0x1;
	_ =	shalt  }
.Lfunc_end2:
_tile_overlayer_lowered:
.L_overlay_start_2:
0xab: {  	(tag) =	ssettag $0x2  }
0xac: {  	s0 =	rddreg [dreg:$0x0];
	s2 =	stileid.u32  }
0xad: {  	s1 =	rddreg [dreg:$0x1];
	p0 =	sne.s32 s2, $0x0  }
0xae: {  	s3 =	rddreg [dreg:$0x2];
	[bflag:$0x3] =	sbarrier.arrive $0xFFFF;
	s2 =	simm.s32 @!p0 $0x1C09  }
0xaf: {  	[timem:s3], [sflag:s2] =	dma.local @!p0 [hbm:s0], s1  }
0xb0: {  	s0 =	simm.s32 @!p0 $0x9  }
0xb1: {  	_ =	swait.ge @!p0 [sflag:s0], s1  }
0xb2: {  	s1 =	ssub.s32 @!p0 $0x0, s1;
	[sflag:s0] =	ssyncset.done @!p0 $0x0  }
0xb3: {  	[sflag:s0] =	ssyncadd.s32 @!p0 s1  }
0xb4: {  	[bflag:$0x3] =	sbarrier.arrive $0xFFFF  }
0xb5: {  	_ =	shalt  }

</sc_bundles>
